<compile_context>
chip_gen: v7x
topology: tpu7x:2x2x1
jax: 0.10.2.dev20260603
libtpu: 0.0.44.dev20260713+nightly
codegen_flags: <defaults>
</compile_context>

<pallas_src>
import functools

import jax
import jax.numpy as jnp
from jax import lax
from jax.experimental import pallas as pl
from jax.experimental.pallas import tpu as pltpu
from jax.experimental.pallas import tpu_sc as plsc

BATCH = 16384
FIELDS = 26
DIM = 64
B_TOTAL = BATCH * FIELDS

NUM_CORES = 2
NUM_SUBCORES = 16
NW = NUM_CORES * NUM_SUBCORES

B_PER_W = BATCH // NW
SUBB = 128
NSUB = B_PER_W // SUBB
NCHUNK = FIELDS * NSUB


def _iota16():
    return lax.iota(jnp.int32, 16)


def _splat(val):
    return jnp.full((16,), val, jnp.int32)


def _k3_body(rows_hbm, out_hbm, r0, r1, ob0, ob1, gsem0, gsem1, osem0, osem1):
    wid = lax.axis_index("s") * NUM_CORES + lax.axis_index("c")
    rows = (r0, r1)
    obufs = (ob0, ob1)
    gsems = (gsem0, gsem1)
    osems = (osem0, osem1)
    iota = _iota16()
    nj = SUBB // 16

    def src_off(t):
        f = t // NSUB
        sb = t % NSUB
        return pl.multiple_of(f * BATCH + wid * B_PER_W + sb * SUBB, SUBB)

    def in_desc(t, s):
        return pltpu.make_async_copy(
            rows_hbm.at[pl.ds(src_off(t), SUBB), :], rows[s], gsems[s])

    def out_desc(t, s):
        f = t // NSUB
        sb = t % NSUB
        col = pl.multiple_of(wid * B_PER_W + sb * SUBB, SUBB)
        return pltpu.make_async_copy(
            obufs[s], out_hbm.at[f, :, pl.ds(col, SUBB)], osems[s])

    def shuffle(s):
        rbuf, obuf = rows[s], obufs[s]
        bvecs = [16 * j + iota for j in range(nj)]

        def loads(cv):
            return tuple(
                plsc.load_gather(rbuf, [bvecs[j], cv]) for j in range(nj))

        def stores(rv, vals):
            for j in range(nj):
                plsc.store_scatter(obuf, [rv, bvecs[j]], vals[j])

        def cbody(c, carry):
            cv, pv, pvals = carry
            vals = loads(cv)
            stores(pv, pvals)
            return (cv + 1, cv, vals)

        cv0 = _splat(0)
        cvl, pvl, last = lax.fori_loop(
            1, DIM, cbody, (cv0 + 1, cv0, loads(cv0)), unroll=4)
        stores(pvl, last)

    in_desc(0, 0).start()
    in_desc(1, 1).start()

    def step(i, carry):
        for s in range(2):
            t = 2 * i + s
            in_desc(t, s).wait()

            @pl.when(t >= 2)
            def _():
                out_desc(t - 2, s).wait()

            shuffle(s)
            out_desc(t, s).start()

            @pl.when(t + 2 < NCHUNK)
            def _():
                in_desc(t + 2, s).start()

        return carry

    lax.fori_loop(0, NCHUNK // 2, step, 0, unroll=False)
    out_desc(NCHUNK - 2, 0).wait()
    out_desc(NCHUNK - 1, 1).wait()


@jax.jit
def _embedding_layout(rows_f):
    mesh = plsc.VectorSubcoreMesh(core_axis_name="c", subcore_axis_name="s")
    cp = pltpu.CompilerParams(use_tc_tiling_on_sc=True,
                              needs_layout_passes=False)
    k3 = functools.partial(
        pl.kernel, mesh=mesh,
        out_type=jax.ShapeDtypeStruct((FIELDS, DIM, BATCH), jnp.float32),
        scratch_types=[
            pltpu.VMEM((SUBB, DIM), jnp.float32),
            pltpu.VMEM((SUBB, DIM), jnp.float32),
            pltpu.VMEM((DIM, SUBB), jnp.float32),
            pltpu.VMEM((DIM, SUBB), jnp.float32),
            pltpu.SemaphoreType.DMA,
            pltpu.SemaphoreType.DMA,
            pltpu.SemaphoreType.DMA,
            pltpu.SemaphoreType.DMA,
        ],
        compiler_params=cp,
    )(_k3_body)
    return k3(rows_f)


def kernel(input_, table):
    idxf = input_.T.reshape(B_TOTAL)
    rows_f = table.at[idxf].get(mode="promise_in_bounds")
    out_t = _embedding_layout(rows_f)
    return out_t.transpose(2, 0, 1)

# --- scband reference (transcript-rebuilt; emitter-appended) ---
"""Pipeline reference for scband-chunked-embedding-27255862460962 (READ-ONLY COPY).

The authoritative reference and input builder live on the scoring server;
editing this copy changes nothing except your own understanding.
"""

import jax, jax.numpy as jnp
import numpy as np

NUM_EMBEDDINGS = 1000000
EMBEDDING_DIM = 64
CHUNK_SIZE = 1000
BATCH = 16384
FIELDS = 26


def setup_inputs(seed: int = 0) -> dict:
    key = jax.random.key(seed)
    k1, k2 = jax.random.split(key)
    input_ = jax.random.randint(k1, (BATCH, FIELDS), 0, NUM_EMBEDDINGS, dtype=jnp.int32)
    # Learned parameter: the full embedding table. In the torch module this table is
    # stored as ceil(NUM_EMBEDDINGS/CHUNK_SIZE) row-chunks of size CHUNK_SIZE that
    # exactly partition the rows, so a single contiguous table is the equivalent
    # parameterization (chunk i holds rows [i*CHUNK_SIZE, (i+1)*CHUNK_SIZE)).
    table = jax.random.normal(k2, (NUM_EMBEDDINGS, EMBEDDING_DIM), dtype=jnp.float32)
    return {"input_": input_, "table": table}


def reference(input_, table):
    # Faithful translation of ChunkedEmbedding.forward:
    #   group   = input_ // chunk_size          (which chunk owns each index)
    #   local   = input_ - group * chunk_size   (row within that chunk)
    #   output[pos] = chunk[group[pos]].weight[local[pos]]
    # Since the chunks partition the original table contiguously,
    #   chunk[g].weight[l] == table[g * chunk_size + l] == table[input_]
    # padding_idx / max_norm / scale_grad_by_freq are all None/default here.
    group = input_ // CHUNK_SIZE
    local = input_ - group * CHUNK_SIZE
    flat_idx = group * CHUNK_SIZE + local  # identical to input_; kept for fidelity
    output = jnp.take(table, flat_idx, axis=0)
    return output

if __name__ == "__main__":
    import jax
    _d = setup_inputs()
    print(jax.jit(kernel)(*tuple(_d.values())))

</pallas_src>

<mosaic_0001>
#map = affine_map<(d0, d1) -> (0, 0)>
#map1 = affine_map<(d0, d1) -> (0, 0, 0)>
module attributes {stable_mosaic.version = 14 : i64} {
  func.func @_k3_body(%arg0: i32, %arg1: i32, %arg2: memref<425984x64xf32, #tpu.memory_space<hbm>>, %arg3: memref<26x64x16384xf32, #tpu.memory_space<hbm>>, %arg4: memref<128x64xf32, #tpu.memory_space<vmem>>, %arg5: memref<128x64xf32, #tpu.memory_space<vmem>>, %arg6: memref<64x128xf32, #tpu.memory_space<vmem>>, %arg7: memref<64x128xf32, #tpu.memory_space<vmem>>, %arg8: memref<!tpu.dma_semaphore, #tpu.memory_space<semaphore_mem>>, %arg9: memref<!tpu.dma_semaphore, #tpu.memory_space<semaphore_mem>>, %arg10: memref<!tpu.dma_semaphore, #tpu.memory_space<semaphore_mem>>, %arg11: memref<!tpu.dma_semaphore, #tpu.memory_space<semaphore_mem>>) attributes {dimension_semantics = [#tpu.dimension_semantics<core_parallel>, #tpu.dimension_semantics<subcore_parallel>], iteration_bounds = array<i64: 2, 16>, scalar_prefetch = 0 : i64, scratch_operands = 8 : i64, tpu.core_type = #tpu.core_type<sc_vector_subcore>, window_params = [{transform_indices = #map}, {transform_indices = #map1}]} {
    %mul3A = arith.constant 2 : i32
    %mul3A_0 = arith.muli %arg1, %mul3A : i32
    %add3A = arith.addi %mul3A_0, %arg0 : i32
    %iota3A = tpu.iota {dimensions = array<i32: 0>} : vector<16xi32>
    %mul3A_1 = arith.constant 512 : i32
    %mul3A_2 = arith.muli %add3A, %mul3A_1 : i32
    %add3A_3 = arith.constant 0 : i32
    %add3A_4 = arith.addi %add3A_3, %mul3A_2 : i32
    %add3A_5 = arith.constant 0 : i32
    %add3A_6 = arith.addi %add3A_4, %add3A_5 : i32
    %multiple_of3A = tpu.assume_multiple %add3A_6, 128 : i32
    %dma_start3A = arith.constant 0 : i32
    %dma_start3A_7 = tpu.memref_slice %arg2[%multiple_of3A, %dma_start3A] : memref<425984x64xf32, #tpu.memory_space<hbm>> -> memref<128x64xf32, #tpu.memory_space<hbm>>
    %dma_start3A_8 = arith.constant 0 : i32
    %dma_start3A_9 = tpu.memref_slice %arg2[%multiple_of3A, %dma_start3A_8] : memref<425984x64xf32, #tpu.memory_space<hbm>> -> memref<128x64xf32, #tpu.memory_space<hbm>>
    tpu.enqueue_dma source(%dma_start3A_9 : memref<128x64xf32, #tpu.memory_space<hbm>>) target(%arg4 : memref<128x64xf32, #tpu.memory_space<vmem>>) target_semaphore(%arg8 : memref<!tpu.dma_semaphore, #tpu.memory_space<semaphore_mem>>)
    %mul3A_10 = arith.constant 512 : i32
    %mul3A_11 = arith.muli %add3A, %mul3A_10 : i32
    %add3A_12 = arith.constant 0 : i32
    %add3A_13 = arith.addi %add3A_12, %mul3A_11 : i32
    %add3A_14 = arith.constant 128 : i32
    %add3A_15 = arith.addi %add3A_13, %add3A_14 : i32
    %multiple_of3A_16 = tpu.assume_multiple %add3A_15, 128 : i32
    %dma_start3A_17 = arith.constant 0 : i32
    %dma_start3A_18 = tpu.memref_slice %arg2[%multiple_of3A_16, %dma_start3A_17] : memref<425984x64xf32, #tpu.memory_space<hbm>> -> memref<128x64xf32, #tpu.memory_space<hbm>>
    %dma_start3A_19 = arith.constant 0 : i32
    %dma_start3A_20 = tpu.memref_slice %arg2[%multiple_of3A_16, %dma_start3A_19] : memref<425984x64xf32, #tpu.memory_space<hbm>> -> memref<128x64xf32, #tpu.memory_space<hbm>>
    tpu.enqueue_dma source(%dma_start3A_20 : memref<128x64xf32, #tpu.memory_space<hbm>>) target(%arg5 : memref<128x64xf32, #tpu.memory_space<vmem>>) target_semaphore(%arg9 : memref<!tpu.dma_semaphore, #tpu.memory_space<semaphore_mem>>)
    %scan3A = arith.constant 0 : i32
    %scan3A_21 = arith.constant 0 : i32
    %scan3A_22 = arith.constant 52 : i32
    %scan3A_23 = arith.addi %scan3A_21, %scan3A_22 : i32
    %scan3A_24 = arith.constant 1 : i32
    scf.for %scan3A_49 = %scan3A_21 to %scan3A_23 step %scan3A_24  : i32 {
      %mul3A_50 = arith.constant 2 : i32
      %mul3A_51 = arith.muli %mul3A_50, %scan3A_49 : i32
      %add3A_52 = arith.constant 0 : i32
      %add3A_53 = arith.addi %mul3A_51, %add3A_52 : i32
      %jit3A = arith.constant 4 : i32
      %div3A = arith.divsi %add3A_53, %jit3A : i32
      %sign3A = arith.constant 0 : i32
      %sign3A_54 = arith.cmpi sgt, %add3A_53, %sign3A : i32
      %sign3A_55 = arith.extui %sign3A_54 : i1 to i32
      %sign3A_56 = arith.constant 0 : i32
      %sign3A_57 = arith.cmpi slt, %add3A_53, %sign3A_56 : i32
      %sign3A_58 = arith.extui %sign3A_57 : i1 to i32
      %sign3A_59 = arith.subi %sign3A_55, %sign3A_58 : i32
      %sign3A_60 = arith.constant 0 : i32
      %sign3A_61 = arith.cmpi sgt, %jit3A, %sign3A_60 : i32
      %sign3A_62 = arith.extui %sign3A_61 : i1 to i32
      %sign3A_63 = arith.constant 0 : i32
      %sign3A_64 = arith.cmpi slt, %jit3A, %sign3A_63 : i32
      %sign3A_65 = arith.extui %sign3A_64 : i1 to i32
      %sign3A_66 = arith.subi %sign3A_62, %sign3A_65 : i32
      %ne3A = arith.cmpi ne, %sign3A_59, %sign3A_66 : i32
      %rem3A = arith.remsi %add3A_53, %jit3A : i32
      %ne3A_67 = arith.constant 0 : i32
      %ne3A_68 = arith.cmpi ne, %rem3A, %ne3A_67 : i32
      %and3A = arith.andi %ne3A, %ne3A_68 : i1
      %sub3A = arith.constant 1 : i32
      %sub3A_69 = arith.subi %div3A, %sub3A : i32
      %select_n3A = arith.select %and3A, %sub3A_69, %div3A : i32
      %jit3A_70 = arith.constant 4 : i32
      %eq3A = arith.constant 0 : i32
      %eq3A_71 = arith.cmpi eq, %jit3A_70, %eq3A : i32
      %jit3A_72 = arith.constant 1 : i32
      %select_n3A_73 = arith.select %eq3A_71, %jit3A_72, %jit3A_70 : i32
      %rem3A_74 = arith.remsi %add3A_53, %select_n3A_73 : i32
      %ne3A_75 = arith.constant 0 : i32
      %ne3A_76 = arith.cmpi ne, %rem3A_74, %ne3A_75 : i32
      %lt3A = arith.constant 0 : i32
      %lt3A_77 = arith.cmpi slt, %rem3A_74, %lt3A : i32
      %lt3A_78 = arith.constant 0 : i32
      %lt3A_79 = arith.cmpi slt, %select_n3A_73, %lt3A_78 : i32
      %ne3A_80 = arith.xori %lt3A_77, %lt3A_79 : i1
      %and3A_81 = arith.andi %ne3A_80, %ne3A_76 : i1
      %add3A_82 = arith.addi %rem3A_74, %select_n3A_73 : i32
      %select_n3A_83 = arith.select %and3A_81, %add3A_82, %rem3A_74 : i32
      %mul3A_84 = arith.constant 16384 : i32
      %mul3A_85 = arith.muli %select_n3A, %mul3A_84 : i32
      %mul3A_86 = arith.constant 512 : i32
      %mul3A_87 = arith.muli %add3A, %mul3A_86 : i32
      %add3A_88 = arith.addi %mul3A_85, %mul3A_87 : i32
      %mul3A_89 = arith.constant 128 : i32
      %mul3A_90 = arith.muli %select_n3A_83, %mul3A_89 : i32
      %add3A_91 = arith.addi %add3A_88, %mul3A_90 : i32
      %multiple_of3A_92 = tpu.assume_multiple %add3A_91, 128 : i32
      %dma_wait3A_93 = arith.constant 0 : i32
      %dma_wait3A_94 = tpu.memref_slice %arg2[%multiple_of3A_92, %dma_wait3A_93] : memref<425984x64xf32, #tpu.memory_space<hbm>> -> memref<128x64xf32, #tpu.memory_space<hbm>>
      %dma_wait3A_95 = arith.constant 0 : i32
      %dma_wait3A_96 = tpu.memref_slice %arg2[%multiple_of3A_92, %dma_wait3A_95] : memref<425984x64xf32, #tpu.memory_space<hbm>> -> memref<128x64xf32, #tpu.memory_space<hbm>>
      tpu.wait_dma2 semaphore(%arg8 : memref<!tpu.dma_semaphore, #tpu.memory_space<semaphore_mem>>) src(%dma_wait3A_96 : memref<128x64xf32, #tpu.memory_space<hbm>>) dst(%arg4 : memref<128x64xf32, #tpu.memory_space<vmem>>)
      %ge3A = arith.constant 2 : i32
      %ge3A_97 = arith.cmpi sge, %add3A_53, %ge3A : i32
      %convert_element_type3A = arith.extui %ge3A_97 : i1 to i32
      %cond3A = arith.constant 0 : i32
      %cond3A_98 = arith.cmpi ne, %convert_element_type3A, %cond3A : i32
      scf.if %cond3A_98 {
        %sub3A_441 = arith.constant 2 : i32
        %sub3A_442 = arith.subi %add3A_53, %sub3A_441 : i32
        %jit3A_443 = arith.constant 4 : i32
        %div3A_444 = arith.divsi %sub3A_442, %jit3A_443 : i32
        %sign3A_445 = arith.constant 0 : i32
        %sign3A_446 = arith.cmpi sgt, %sub3A_442, %sign3A_445 : i32
        %sign3A_447 = arith.extui %sign3A_446 : i1 to i32
        %sign3A_448 = arith.constant 0 : i32
        %sign3A_449 = arith.cmpi slt, %sub3A_442, %sign3A_448 : i32
        %sign3A_450 = arith.extui %sign3A_449 : i1 to i32
        %sign3A_451 = arith.subi %sign3A_447, %sign3A_450 : i32
        %sign3A_452 = arith.constant 0 : i32
        %sign3A_453 = arith.cmpi sgt, %jit3A_443, %sign3A_452 : i32
        %sign3A_454 = arith.extui %sign3A_453 : i1 to i32
        %sign3A_455 = arith.constant 0 : i32
        %sign3A_456 = arith.cmpi slt, %jit3A_443, %sign3A_455 : i32
        %sign3A_457 = arith.extui %sign3A_456 : i1 to i32
        %sign3A_458 = arith.subi %sign3A_454, %sign3A_457 : i32
        %ne3A_459 = arith.cmpi ne, %sign3A_451, %sign3A_458 : i32
        %rem3A_460 = arith.remsi %sub3A_442, %jit3A_443 : i32
        %ne3A_461 = arith.constant 0 : i32
        %ne3A_462 = arith.cmpi ne, %rem3A_460, %ne3A_461 : i32
        %and3A_463 = arith.andi %ne3A_459, %ne3A_462 : i1
        %sub3A_464 = arith.constant 1 : i32
        %sub3A_465 = arith.subi %div3A_444, %sub3A_464 : i32
        %select_n3A_466 = arith.select %and3A_463, %sub3A_465, %div3A_444 : i32
        %jit3A_467 = arith.constant 4 : i32
        %eq3A_468 = arith.constant 0 : i32
        %eq3A_469 = arith.cmpi eq, %jit3A_467, %eq3A_468 : i32
        %jit3A_470 = arith.constant 1 : i32
        %select_n3A_471 = arith.select %eq3A_469, %jit3A_470, %jit3A_467 : i32
        %rem3A_472 = arith.remsi %sub3A_442, %select_n3A_471 : i32
        %ne3A_473 = arith.constant 0 : i32
        %ne3A_474 = arith.cmpi ne, %rem3A_472, %ne3A_473 : i32
        %lt3A_475 = arith.constant 0 : i32
        %lt3A_476 = arith.cmpi slt, %rem3A_472, %lt3A_475 : i32
        %lt3A_477 = arith.constant 0 : i32
        %lt3A_478 = arith.cmpi slt, %select_n3A_471, %lt3A_477 : i32
        %ne3A_479 = arith.xori %lt3A_476, %lt3A_478 : i1
        %and3A_480 = arith.andi %ne3A_479, %ne3A_474 : i1
        %add3A_481 = arith.addi %rem3A_472, %select_n3A_471 : i32
        %select_n3A_482 = arith.select %and3A_480, %add3A_481, %rem3A_472 : i32
        %mul3A_483 = arith.constant 512 : i32
        %mul3A_484 = arith.muli %add3A, %mul3A_483 : i32
        %mul3A_485 = arith.constant 128 : i32
        %mul3A_486 = arith.muli %select_n3A_482, %mul3A_485 : i32
        %add3A_487 = arith.addi %mul3A_484, %mul3A_486 : i32
        %multiple_of3A_488 = tpu.assume_multiple %add3A_487, 128 : i32
        %dma_wait3A_489 = arith.constant 0 : i32
        %dma_wait3A_490 = tpu.memref_slice %arg3[%select_n3A_466, %dma_wait3A_489, %multiple_of3A_488] : memref<26x64x16384xf32, #tpu.memory_space<hbm>> -> memref<1x64x128xf32, #tpu.memory_space<hbm>>
        %dma_wait3A_491 = tpu.memref_squeeze %dma_wait3A_490 : memref<1x64x128xf32, #tpu.memory_space<hbm>> -> memref<64x128xf32, #tpu.memory_space<hbm>>
        %dma_wait3A_492 = arith.constant 0 : i32
        %dma_wait3A_493 = tpu.memref_slice %arg3[%select_n3A_466, %dma_wait3A_492, %multiple_of3A_488] : memref<26x64x16384xf32, #tpu.memory_space<hbm>> -> memref<1x64x128xf32, #tpu.memory_space<hbm>>
        %dma_wait3A_494 = tpu.memref_squeeze %dma_wait3A_493 : memref<1x64x128xf32, #tpu.memory_space<hbm>> -> memref<64x128xf32, #tpu.memory_space<hbm>>
        tpu.wait_dma2 semaphore(%arg10 : memref<!tpu.dma_semaphore, #tpu.memory_space<semaphore_mem>>) src(%arg6 : memref<64x128xf32, #tpu.memory_space<vmem>>) dst(%dma_wait3A_494 : memref<64x128xf32, #tpu.memory_space<hbm>>)
      } else {
      }
      %add3A_99 = arith.constant 0 : i32
      %add3A_100 = vector.broadcast %add3A_99 : i32 to vector<16xi32>
      %add3A_101 = arith.addi %add3A_100, %iota3A : vector<16xi32>
      %add3A_102 = arith.constant 16 : i32
      %add3A_103 = vector.broadcast %add3A_102 : i32 to vector<16xi32>
      %add3A_104 = arith.addi %add3A_103, %iota3A : vector<16xi32>
      %add3A_105 = arith.constant 32 : i32
      %add3A_106 = vector.broadcast %add3A_105 : i32 to vector<16xi32>
      %add3A_107 = arith.addi %add3A_106, %iota3A : vector<16xi32>
      %add3A_108 = arith.constant 48 : i32
      %add3A_109 = vector.broadcast %add3A_108 : i32 to vector<16xi32>
      %add3A_110 = arith.addi %add3A_109, %iota3A : vector<16xi32>
      %add3A_111 = arith.constant 64 : i32
      %add3A_112 = vector.broadcast %add3A_111 : i32 to vector<16xi32>
      %add3A_113 = arith.addi %add3A_112, %iota3A : vector<16xi32>
      %add3A_114 = arith.constant 80 : i32
      %add3A_115 = vector.broadcast %add3A_114 : i32 to vector<16xi32>
      %add3A_116 = arith.addi %add3A_115, %iota3A : vector<16xi32>
      %add3A_117 = arith.constant 96 : i32
      %add3A_118 = vector.broadcast %add3A_117 : i32 to vector<16xi32>
      %add3A_119 = arith.addi %add3A_118, %iota3A : vector<16xi32>
      %add3A_120 = arith.constant 112 : i32
      %add3A_121 = vector.broadcast %add3A_120 : i32 to vector<16xi32>
      %add3A_122 = arith.addi %add3A_121, %iota3A : vector<16xi32>
      %broadcast_in_dim3A = arith.constant 0 : i32
      %broadcast_in_dim3A_123 = vector.broadcast %broadcast_in_dim3A : i32 to vector<16xi32>
      %add3A_124 = arith.constant 1 : i32
      %add3A_125 = vector.broadcast %add3A_124 : i32 to vector<16xi32>
      %add3A_126 = arith.addi %broadcast_in_dim3A_123, %add3A_125 : vector<16xi32>
      %gather3A = tpu.vector_load_idx %arg4[%add3A_101, %broadcast_in_dim3A_123] : memref<128x64xf32, #tpu.memory_space<vmem>>[vector<16xi32>, vector<16xi32>], vector<16xf32>,
      %gather3A_127 = tpu.vector_load_idx %arg4[%add3A_104, %broadcast_in_dim3A_123] : memref<128x64xf32, #tpu.memory_space<vmem>>[vector<16xi32>, vector<16xi32>], vector<16xf32>,
      %gather3A_128 = tpu.vector_load_idx %arg4[%add3A_107, %broadcast_in_dim3A_123] : memref<128x64xf32, #tpu.memory_space<vmem>>[vector<16xi32>, vector<16xi32>], vector<16xf32>,
      %gather3A_129 = tpu.vector_load_idx %arg4[%add3A_110, %broadcast_in_dim3A_123] : memref<128x64xf32, #tpu.memory_space<vmem>>[vector<16xi32>, vector<16xi32>], vector<16xf32>,
      %gather3A_130 = tpu.vector_load_idx %arg4[%add3A_113, %broadcast_in_dim3A_123] : memref<128x64xf32, #tpu.memory_space<vmem>>[vector<16xi32>, vector<16xi32>], vector<16xf32>,
      %gather3A_131 = tpu.vector_load_idx %arg4[%add3A_116, %broadcast_in_dim3A_123] : memref<128x64xf32, #tpu.memory_space<vmem>>[vector<16xi32>, vector<16xi32>], vector<16xf32>,
      %gather3A_132 = tpu.vector_load_idx %arg4[%add3A_119, %broadcast_in_dim3A_123] : memref<128x64xf32, #tpu.memory_space<vmem>>[vector<16xi32>, vector<16xi32>], vector<16xf32>,
      %gather3A_133 = tpu.vector_load_idx %arg4[%add3A_122, %broadcast_in_dim3A_123] : memref<128x64xf32, #tpu.memory_space<vmem>>[vector<16xi32>, vector<16xi32>], vector<16xf32>,
      %scan3A_134 = arith.constant 1 : i32
      %scan3A_135 = arith.constant 60 : i32
      %scan3A_136 = arith.addi %scan3A_134, %scan3A_135 : i32
      %scan3A_137 = arith.constant 4 : i32
      %scan3A_138:10 = scf.for %scan3A_441 = %scan3A_134 to %scan3A_136 step %scan3A_137 iter_args(%scan3A_442 = %add3A_126, %scan3A_443 = %broadcast_in_dim3A_123, %scan3A_444 = %gather3A, %scan3A_445 = %gather3A_127, %scan3A_446 = %gather3A_128, %scan3A_447 = %gather3A_129, %scan3A_448 = %gather3A_130, %scan3A_449 = %gather3A_131, %scan3A_450 = %gather3A_132, %scan3A_451 = %gather3A_133) -> (vector<16xi32>, vector<16xi32>, vector<16xf32>, vector<16xf32>, vector<16xf32>, vector<16xf32>, vector<16xf32>, vector<16xf32>, vector<16xf32>, vector<16xf32>)  : i32 {
        %gather3A_452 = tpu.vector_load_idx %arg4[%add3A_101, %scan3A_442] : memref<128x64xf32, #tpu.memory_space<vmem>>[vector<16xi32>, vector<16xi32>], vector<16xf32>,
        %gather3A_453 = tpu.vector_load_idx %arg4[%add3A_104, %scan3A_442] : memref<128x64xf32, #tpu.memory_space<vmem>>[vector<16xi32>, vector<16xi32>], vector<16xf32>,
        %gather3A_454 = tpu.vector_load_idx %arg4[%add3A_107, %scan3A_442] : memref<128x64xf32, #tpu.memory_space<vmem>>[vector<16xi32>, vector<16xi32>], vector<16xf32>,
        %gather3A_455 = tpu.vector_load_idx %arg4[%add3A_110, %scan3A_442] : memref<128x64xf32, #tpu.memory_space<vmem>>[vector<16xi32>, vector<16xi32>], vector<16xf32>,
        %gather3A_456 = tpu.vector_load_idx %arg4[%add3A_113, %scan3A_442] : memref<128x64xf32, #tpu.memory_space<vmem>>[vector<16xi32>, vector<16xi32>], vector<16xf32>,
        %gather3A_457 = tpu.vector_load_idx %arg4[%add3A_116, %scan3A_442] : memref<128x64xf32, #tpu.memory_space<vmem>>[vector<16xi32>, vector<16xi32>], vector<16xf32>,
        %gather3A_458 = tpu.vector_load_idx %arg4[%add3A_119, %scan3A_442] : memref<128x64xf32, #tpu.memory_space<vmem>>[vector<16xi32>, vector<16xi32>], vector<16xf32>,
        %gather3A_459 = tpu.vector_load_idx %arg4[%add3A_122, %scan3A_442] : memref<128x64xf32, #tpu.memory_space<vmem>>[vector<16xi32>, vector<16xi32>], vector<16xf32>,
        tpu.vector_store_idx %arg6[%scan3A_443, %add3A_101], %scan3A_444 : memref<64x128xf32, #tpu.memory_space<vmem>>[vector<16xi32>, vector<16xi32>], vector<16xf32>,
        tpu.vector_store_idx %arg6[%scan3A_443, %add3A_104], %scan3A_445 : memref<64x128xf32, #tpu.memory_space<vmem>>[vector<16xi32>, vector<16xi32>], vector<16xf32>,
        tpu.vector_store_idx %arg6[%scan3A_443, %add3A_107], %scan3A_446 : memref<64x128xf32, #tpu.memory_space<vmem>>[vector<16xi32>, vector<16xi32>], vector<16xf32>,
        tpu.vector_store_idx %arg6[%scan3A_443, %add3A_110], %scan3A_447 : memref<64x128xf32, #tpu.memory_space<vmem>>[vector<16xi32>, vector<16xi32>], vector<16xf32>,
        tpu.vector_store_idx %arg6[%scan3A_443, %add3A_113], %scan3A_448 : memref<64x128xf32, #tpu.memory_space<vmem>>[vector<16xi32>, vector<16xi32>], vector<16xf32>,
        tpu.vector_store_idx %arg6[%scan3A_443, %add3A_116], %scan3A_449 : memref<64x128xf32, #tpu.memory_space<vmem>>[vector<16xi32>, vector<16xi32>], vector<16xf32>,
        tpu.vector_store_idx %arg6[%scan3A_443, %add3A_119], %scan3A_450 : memref<64x128xf32, #tpu.memory_space<vmem>>[vector<16xi32>, vector<16xi32>], vector<16xf32>,
        tpu.vector_store_idx %arg6[%scan3A_443, %add3A_122], %scan3A_451 : memref<64x128xf32, #tpu.memory_space<vmem>>[vector<16xi32>, vector<16xi32>], vector<16xf32>,
        %add3A_460 = arith.constant 1 : i32
        %add3A_461 = vector.broadcast %add3A_460 : i32 to vector<16xi32>
        %add3A_462 = arith.addi %scan3A_442, %add3A_461 : vector<16xi32>
        %scan3A_463 = arith.constant 1 : i32
        %scan3A_464 = arith.addi %scan3A_441, %scan3A_463 : i32
        %gather3A_465 = tpu.vector_load_idx %arg4[%add3A_101, %add3A_462] : memref<128x64xf32, #tpu.memory_space<vmem>>[vector<16xi32>, vector<16xi32>], vector<16xf32>,
        %gather3A_466 = tpu.vector_load_idx %arg4[%add3A_104, %add3A_462] : memref<128x64xf32, #tpu.memory_space<vmem>>[vector<16xi32>, vector<16xi32>], vector<16xf32>,
        %gather3A_467 = tpu.vector_load_idx %arg4[%add3A_107, %add3A_462] : memref<128x64xf32, #tpu.memory_space<vmem>>[vector<16xi32>, vector<16xi32>], vector<16xf32>,
        %gather3A_468 = tpu.vector_load_idx %arg4[%add3A_110, %add3A_462] : memref<128x64xf32, #tpu.memory_space<vmem>>[vector<16xi32>, vector<16xi32>], vector<16xf32>,
        %gather3A_469 = tpu.vector_load_idx %arg4[%add3A_113, %add3A_462] : memref<128x64xf32, #tpu.memory_space<vmem>>[vector<16xi32>, vector<16xi32>], vector<16xf32>,
        %gather3A_470 = tpu.vector_load_idx %arg4[%add3A_116, %add3A_462] : memref<128x64xf32, #tpu.memory_space<vmem>>[vector<16xi32>, vector<16xi32>], vector<16xf32>,
        %gather3A_471 = tpu.vector_load_idx %arg4[%add3A_119, %add3A_462] : memref<128x64xf32, #tpu.memory_space<vmem>>[vector<16xi32>, vector<16xi32>], vector<16xf32>,
        %gather3A_472 = tpu.vector_load_idx %arg4[%add3A_122, %add3A_462] : memref<128x64xf32, #tpu.memory_space<vmem>>[vector<16xi32>, vector<16xi32>], vector<16xf32>,
        tpu.vector_store_idx %arg6[%scan3A_442, %add3A_101], %gather3A_452 : memref<64x128xf32, #tpu.memory_space<vmem>>[vector<16xi32>, vector<16xi32>], vector<16xf32>,
        tpu.vector_store_idx %arg6[%scan3A_442, %add3A_104], %gather3A_453 : memref<64x128xf32, #tpu.memory_space<vmem>>[vector<16xi32>, vector<16xi32>], vector<16xf32>,
        tpu.vector_store_idx %arg6[%scan3A_442, %add3A_107], %gather3A_454 : memref<64x128xf32, #tpu.memory_space<vmem>>[vector<16xi32>, vector<16xi32>], vector<16xf32>,
        tpu.vector_store_idx %arg6[%scan3A_442, %add3A_110], %gather3A_455 : memref<64x128xf32, #tpu.memory_space<vmem>>[vector<16xi32>, vector<16xi32>], vector<16xf32>,
        tpu.vector_store_idx %arg6[%scan3A_442, %add3A_113], %gather3A_456 : memref<64x128xf32, #tpu.memory_space<vmem>>[vector<16xi32>, vector<16xi32>], vector<16xf32>,
        tpu.vector_store_idx %arg6[%scan3A_442, %add3A_116], %gather3A_457 : memref<64x128xf32, #tpu.memory_space<vmem>>[vector<16xi32>, vector<16xi32>], vector<16xf32>,
        tpu.vector_store_idx %arg6[%scan3A_442, %add3A_119], %gather3A_458 : memref<64x128xf32, #tpu.memory_space<vmem>>[vector<16xi32>, vector<16xi32>], vector<16xf32>,
        tpu.vector_store_idx %arg6[%scan3A_442, %add3A_122], %gather3A_459 : memref<64x128xf32, #tpu.memory_space<vmem>>[vector<16xi32>, vector<16xi32>], vector<16xf32>,
        %add3A_473 = arith.constant 1 : i32
        %add3A_474 = vector.broadcast %add3A_473 : i32 to vector<16xi32>
        %add3A_475 = arith.addi %add3A_462, %add3A_474 : vector<16xi32>
        %scan3A_476 = arith.constant 2 : i32
        %scan3A_477 = arith.addi %scan3A_441, %scan3A_476 : i32
        %gather3A_478 = tpu.vector_load_idx %arg4[%add3A_101, %add3A_475] : memref<128x64xf32, #tpu.memory_space<vmem>>[vector<16xi32>, vector<16xi32>], vector<16xf32>,
        %gather3A_479 = tpu.vector_load_idx %arg4[%add3A_104, %add3A_475] : memref<128x64xf32, #tpu.memory_space<vmem>>[vector<16xi32>, vector<16xi32>], vector<16xf32>,
        %gather3A_480 = tpu.vector_load_idx %arg4[%add3A_107, %add3A_475] : memref<128x64xf32, #tpu.memory_space<vmem>>[vector<16xi32>, vector<16xi32>], vector<16xf32>,
        %gather3A_481 = tpu.vector_load_idx %arg4[%add3A_110, %add3A_475] : memref<128x64xf32, #tpu.memory_space<vmem>>[vector<16xi32>, vector<16xi32>], vector<16xf32>,
        %gather3A_482 = tpu.vector_load_idx %arg4[%add3A_113, %add3A_475] : memref<128x64xf32, #tpu.memory_space<vmem>>[vector<16xi32>, vector<16xi32>], vector<16xf32>,
        %gather3A_483 = tpu.vector_load_idx %arg4[%add3A_116, %add3A_475] : memref<128x64xf32, #tpu.memory_space<vmem>>[vector<16xi32>, vector<16xi32>], vector<16xf32>,
        %gather3A_484 = tpu.vector_load_idx %arg4[%add3A_119, %add3A_475] : memref<128x64xf32, #tpu.memory_space<vmem>>[vector<16xi32>, vector<16xi32>], vector<16xf32>,
        %gather3A_485 = tpu.vector_load_idx %arg4[%add3A_122, %add3A_475] : memref<128x64xf32, #tpu.memory_space<vmem>>[vector<16xi32>, vector<16xi32>], vector<16xf32>,
        tpu.vector_store_idx %arg6[%add3A_462, %add3A_101], %gather3A_465 : memref<64x128xf32, #tpu.memory_space<vmem>>[vector<16xi32>, vector<16xi32>], vector<16xf32>,
        tpu.vector_store_idx %arg6[%add3A_462, %add3A_104], %gather3A_466 : memref<64x128xf32, #tpu.memory_space<vmem>>[vector<16xi32>, vector<16xi32>], vector<16xf32>,
        tpu.vector_store_idx %arg6[%add3A_462, %add3A_107], %gather3A_467 : memref<64x128xf32, #tpu.memory_space<vmem>>[vector<16xi32>, vector<16xi32>], vector<16xf32>,
        tpu.vector_store_idx %arg6[%add3A_462, %add3A_110], %gather3A_468 : memref<64x128xf32, #tpu.memory_space<vmem>>[vector<16xi32>, vector<16xi32>], vector<16xf32>,
        tpu.vector_store_idx %arg6[%add3A_462, %add3A_113], %gather3A_469 : memref<64x128xf32, #tpu.memory_space<vmem>>[vector<16xi32>, vector<16xi32>], vector<16xf32>,
        tpu.vector_store_idx %arg6[%add3A_462, %add3A_116], %gather3A_470 : memref<64x128xf32, #tpu.memory_space<vmem>>[vector<16xi32>, vector<16xi32>], vector<16xf32>,
        tpu.vector_store_idx %arg6[%add3A_462, %add3A_119], %gather3A_471 : memref<64x128xf32, #tpu.memory_space<vmem>>[vector<16xi32>, vector<16xi32>], vector<16xf32>,
        tpu.vector_store_idx %arg6[%add3A_462, %add3A_122], %gather3A_472 : memref<64x128xf32, #tpu.memory_space<vmem>>[vector<16xi32>, vector<16xi32>], vector<16xf32>,
        %add3A_486 = arith.constant 1 : i32
        %add3A_487 = vector.broadcast %add3A_486 : i32 to vector<16xi32>
        %add3A_488 = arith.addi %add3A_475, %add3A_487 : vector<16xi32>
        %scan3A_489 = arith.constant 3 : i32
        %scan3A_490 = arith.addi %scan3A_441, %scan3A_489 : i32
        %gather3A_491 = tpu.vector_load_idx %arg4[%add3A_101, %add3A_488] : memref<128x64xf32, #tpu.memory_space<vmem>>[vector<16xi32>, vector<16xi32>], vector<16xf32>,
        %gather3A_492 = tpu.vector_load_idx %arg4[%add3A_104, %add3A_488] : memref<128x64xf32, #tpu.memory_space<vmem>>[vector<16xi32>, vector<16xi32>], vector<16xf32>,
        %gather3A_493 = tpu.vector_load_idx %arg4[%add3A_107, %add3A_488] : memref<128x64xf32, #tpu.memory_space<vmem>>[vector<16xi32>, vector<16xi32>], vector<16xf32>,
        %gather3A_494 = tpu.vector_load_idx %arg4[%add3A_110, %add3A_488] : memref<128x64xf32, #tpu.memory_space<vmem>>[vector<16xi32>, vector<16xi32>], vector<16xf32>,
        %gather3A_495 = tpu.vector_load_idx %arg4[%add3A_113, %add3A_488] : memref<128x64xf32, #tpu.memory_space<vmem>>[vector<16xi32>, vector<16xi32>], vector<16xf32>,
        %gather3A_496 = tpu.vector_load_idx %arg4[%add3A_116, %add3A_488] : memref<128x64xf32, #tpu.memory_space<vmem>>[vector<16xi32>, vector<16xi32>], vector<16xf32>,
        %gather3A_497 = tpu.vector_load_idx %arg4[%add3A_119, %add3A_488] : memref<128x64xf32, #tpu.memory_space<vmem>>[vector<16xi32>, vector<16xi32>], vector<16xf32>,
        %gather3A_498 = tpu.vector_load_idx %arg4[%add3A_122, %add3A_488] : memref<128x64xf32, #tpu.memory_space<vmem>>[vector<16xi32>, vector<16xi32>], vector<16xf32>,
        tpu.vector_store_idx %arg6[%add3A_475, %add3A_101], %gather3A_478 : memref<64x128xf32, #tpu.memory_space<vmem>>[vector<16xi32>, vector<16xi32>], vector<16xf32>,
        tpu.vector_store_idx %arg6[%add3A_475, %add3A_104], %gather3A_479 : memref<64x128xf32, #tpu.memory_space<vmem>>[vector<16xi32>, vector<16xi32>], vector<16xf32>,
        tpu.vector_store_idx %arg6[%add3A_475, %add3A_107], %gather3A_480 : memref<64x128xf32, #tpu.memory_space<vmem>>[vector<16xi32>, vector<16xi32>], vector<16xf32>,
        tpu.vector_store_idx %arg6[%add3A_475, %add3A_110], %gather3A_481 : memref<64x128xf32, #tpu.memory_space<vmem>>[vector<16xi32>, vector<16xi32>], vector<16xf32>,
        tpu.vector_store_idx %arg6[%add3A_475, %add3A_113], %gather3A_482 : memref<64x128xf32, #tpu.memory_space<vmem>>[vector<16xi32>, vector<16xi32>], vector<16xf32>,
        tpu.vector_store_idx %arg6[%add3A_475, %add3A_116], %gather3A_483 : memref<64x128xf32, #tpu.memory_space<vmem>>[vector<16xi32>, vector<16xi32>], vector<16xf32>,
        tpu.vector_store_idx %arg6[%add3A_475, %add3A_119], %gather3A_484 : memref<64x128xf32, #tpu.memory_space<vmem>>[vector<16xi32>, vector<16xi32>], vector<16xf32>,
        tpu.vector_store_idx %arg6[%add3A_475, %add3A_122], %gather3A_485 : memref<64x128xf32, #tpu.memory_space<vmem>>[vector<16xi32>, vector<16xi32>], vector<16xf32>,
        %add3A_499 = arith.constant 1 : i32
        %add3A_500 = vector.broadcast %add3A_499 : i32 to vector<16xi32>
        %add3A_501 = arith.addi %add3A_488, %add3A_500 : vector<16xi32>
        scf.yield %add3A_501, %add3A_488, %gather3A_491, %gather3A_492, %gather3A_493, %gather3A_494, %gather3A_495, %gather3A_496, %gather3A_497, %gather3A_498 : vector<16xi32>, vector<16xi32>, vector<16xf32>, vector<16xf32>, vector<16xf32>, vector<16xf32>, vector<16xf32>, vector<16xf32>, vector<16xf32>, vector<16xf32>
      }
      %scan3A_139 = arith.constant 60 : i32
      %scan3A_140 = arith.addi %scan3A_134, %scan3A_139 : i32
      %gather3A_141 = tpu.vector_load_idx %arg4[%add3A_101, %scan3A_138#0] : memref<128x64xf32, #tpu.memory_space<vmem>>[vector<16xi32>, vector<16xi32>], vector<16xf32>,
      %gather3A_142 = tpu.vector_load_idx %arg4[%add3A_104, %scan3A_138#0] : memref<128x64xf32, #tpu.memory_space<vmem>>[vector<16xi32>, vector<16xi32>], vector<16xf32>,
      %gather3A_143 = tpu.vector_load_idx %arg4[%add3A_107, %scan3A_138#0] : memref<128x64xf32, #tpu.memory_space<vmem>>[vector<16xi32>, vector<16xi32>], vector<16xf32>,
      %gather3A_144 = tpu.vector_load_idx %arg4[%add3A_110, %scan3A_138#0] : memref<128x64xf32, #tpu.memory_space<vmem>>[vector<16xi32>, vector<16xi32>], vector<16xf32>,
      %gather3A_145 = tpu.vector_load_idx %arg4[%add3A_113, %scan3A_138#0] : memref<128x64xf32, #tpu.memory_space<vmem>>[vector<16xi32>, vector<16xi32>], vector<16xf32>,
      %gather3A_146 = tpu.vector_load_idx %arg4[%add3A_116, %scan3A_138#0] : memref<128x64xf32, #tpu.memory_space<vmem>>[vector<16xi32>, vector<16xi32>], vector<16xf32>,
      %gather3A_147 = tpu.vector_load_idx %arg4[%add3A_119, %scan3A_138#0] : memref<128x64xf32, #tpu.memory_space<vmem>>[vector<16xi32>, vector<16xi32>], vector<16xf32>,
      %gather3A_148 = tpu.vector_load_idx %arg4[%add3A_122, %scan3A_138#0] : memref<128x64xf32, #tpu.memory_space<vmem>>[vector<16xi32>, vector<16xi32>], vector<16xf32>,
      tpu.vector_store_idx %arg6[%scan3A_138#1, %add3A_101], %scan3A_138#2 : memref<64x128xf32, #tpu.memory_space<vmem>>[vector<16xi32>, vector<16xi32>], vector<16xf32>,
      tpu.vector_store_idx %arg6[%scan3A_138#1, %add3A_104], %scan3A_138#3 : memref<64x128xf32, #tpu.memory_space<vmem>>[vector<16xi32>, vector<16xi32>], vector<16xf32>,
      tpu.vector_store_idx %arg6[%scan3A_138#1, %add3A_107], %scan3A_138#4 : memref<64x128xf32, #tpu.memory_space<vmem>>[vector<16xi32>, vector<16xi32>], vector<16xf32>,
      tpu.vector_store_idx %arg6[%scan3A_138#1, %add3A_110], %scan3A_138#5 : memref<64x128xf32, #tpu.memory_space<vmem>>[vector<16xi32>, vector<16xi32>], vector<16xf32>,
      tpu.vector_store_idx %arg6[%scan3A_138#1, %add3A_113], %scan3A_138#6 : memref<64x128xf32, #tpu.memory_space<vmem>>[vector<16xi32>, vector<16xi32>], vector<16xf32>,
      tpu.vector_store_idx %arg6[%scan3A_138#1, %add3A_116], %scan3A_138#7 : memref<64x128xf32, #tpu.memory_space<vmem>>[vector<16xi32>, vector<16xi32>], vector<16xf32>,
      tpu.vector_store_idx %arg6[%scan3A_138#1, %add3A_119], %scan3A_138#8 : memref<64x128xf32, #tpu.memory_space<vmem>>[vector<16xi32>, vector<16xi32>], vector<16xf32>,
      tpu.vector_store_idx %arg6[%scan3A_138#1, %add3A_122], %scan3A_138#9 : memref<64x128xf32, #tpu.memory_space<vmem>>[vector<16xi32>, vector<16xi32>], vector<16xf32>,
      %add3A_149 = arith.constant 1 : i32
      %add3A_150 = vector.broadcast %add3A_149 : i32 to vector<16xi32>
      %add3A_151 = arith.addi %scan3A_138#0, %add3A_150 : vector<16xi32>
      %scan3A_152 = arith.constant 61 : i32
      %scan3A_153 = arith.addi %scan3A_134, %scan3A_152 : i32
      %gather3A_154 = tpu.vector_load_idx %arg4[%add3A_101, %add3A_151] : memref<128x64xf32, #tpu.memory_space<vmem>>[vector<16xi32>, vector<16xi32>], vector<16xf32>,
      %gather3A_155 = tpu.vector_load_idx %arg4[%add3A_104, %add3A_151] : memref<128x64xf32, #tpu.memory_space<vmem>>[vector<16xi32>, vector<16xi32>], vector<16xf32>,
      %gather3A_156 = tpu.vector_load_idx %arg4[%add3A_107, %add3A_151] : memref<128x64xf32, #tpu.memory_space<vmem>>[vector<16xi32>, vector<16xi32>], vector<16xf32>,
      %gather3A_157 = tpu.vector_load_idx %arg4[%add3A_110, %add3A_151] : memref<128x64xf32, #tpu.memory_space<vmem>>[vector<16xi32>, vector<16xi32>], vector<16xf32>,
      %gather3A_158 = tpu.vector_load_idx %arg4[%add3A_113, %add3A_151] : memref<128x64xf32, #tpu.memory_space<vmem>>[vector<16xi32>, vector<16xi32>], vector<16xf32>,
      %gather3A_159 = tpu.vector_load_idx %arg4[%add3A_116, %add3A_151] : memref<128x64xf32, #tpu.memory_space<vmem>>[vector<16xi32>, vector<16xi32>], vector<16xf32>,
      %gather3A_160 = tpu.vector_load_idx %arg4[%add3A_119, %add3A_151] : memref<128x64xf32, #tpu.memory_space<vmem>>[vector<16xi32>, vector<16xi32>], vector<16xf32>,
      %gather3A_161 = tpu.vector_load_idx %arg4[%add3A_122, %add3A_151] : memref<128x64xf32, #tpu.memory_space<vmem>>[vector<16xi32>, vector<16xi32>], vector<16xf32>,
      tpu.vector_store_idx %arg6[%scan3A_138#0, %add3A_101], %gather3A_141 : memref<64x128xf32, #tpu.memory_space<vmem>>[vector<16xi32>, vector<16xi32>], vector<16xf32>,
      tpu.vector_store_idx %arg6[%scan3A_138#0, %add3A_104], %gather3A_142 : memref<64x128xf32, #tpu.memory_space<vmem>>[vector<16xi32>, vector<16xi32>], vector<16xf32>,
      tpu.vector_store_idx %arg6[%scan3A_138#0, %add3A_107], %gather3A_143 : memref<64x128xf32, #tpu.memory_space<vmem>>[vector<16xi32>, vector<16xi32>], vector<16xf32>,
      tpu.vector_store_idx %arg6[%scan3A_138#0, %add3A_110], %gather3A_144 : memref<64x128xf32, #tpu.memory_space<vmem>>[vector<16xi32>, vector<16xi32>], vector<16xf32>,
      tpu.vector_store_idx %arg6[%scan3A_138#0, %add3A_113], %gather3A_145 : memref<64x128xf32, #tpu.memory_space<vmem>>[vector<16xi32>, vector<16xi32>], vector<16xf32>,
      tpu.vector_store_idx %arg6[%scan3A_138#0, %add3A_116], %gather3A_146 : memref<64x128xf32, #tpu.memory_space<vmem>>[vector<16xi32>, vector<16xi32>], vector<16xf32>,
      tpu.vector_store_idx %arg6[%scan3A_138#0, %add3A_119], %gather3A_147 : memref<64x128xf32, #tpu.memory_space<vmem>>[vector<16xi32>, vector<16xi32>], vector<16xf32>,
      tpu.vector_store_idx %arg6[%scan3A_138#0, %add3A_122], %gather3A_148 : memref<64x128xf32, #tpu.memory_space<vmem>>[vector<16xi32>, vector<16xi32>], vector<16xf32>,
      %add3A_162 = arith.constant 1 : i32
      %add3A_163 = vector.broadcast %add3A_162 : i32 to vector<16xi32>
      %add3A_164 = arith.addi %add3A_151, %add3A_163 : vector<16xi32>
      %scan3A_165 = arith.constant 62 : i32
      %scan3A_166 = arith.addi %scan3A_134, %scan3A_165 : i32
      %gather3A_167 = tpu.vector_load_idx %arg4[%add3A_101, %add3A_164] : memref<128x64xf32, #tpu.memory_space<vmem>>[vector<16xi32>, vector<16xi32>], vector<16xf32>,
      %gather3A_168 = tpu.vector_load_idx %arg4[%add3A_104, %add3A_164] : memref<128x64xf32, #tpu.memory_space<vmem>>[vector<16xi32>, vector<16xi32>], vector<16xf32>,
      %gather3A_169 = tpu.vector_load_idx %arg4[%add3A_107, %add3A_164] : memref<128x64xf32, #tpu.memory_space<vmem>>[vector<16xi32>, vector<16xi32>], vector<16xf32>,
      %gather3A_170 = tpu.vector_load_idx %arg4[%add3A_110, %add3A_164] : memref<128x64xf32, #tpu.memory_space<vmem>>[vector<16xi32>, vector<16xi32>], vector<16xf32>,
      %gather3A_171 = tpu.vector_load_idx %arg4[%add3A_113, %add3A_164] : memref<128x64xf32, #tpu.memory_space<vmem>>[vector<16xi32>, vector<16xi32>], vector<16xf32>,
      %gather3A_172 = tpu.vector_load_idx %arg4[%add3A_116, %add3A_164] : memref<128x64xf32, #tpu.memory_space<vmem>>[vector<16xi32>, vector<16xi32>], vector<16xf32>,
      %gather3A_173 = tpu.vector_load_idx %arg4[%add3A_119, %add3A_164] : memref<128x64xf32, #tpu.memory_space<vmem>>[vector<16xi32>, vector<16xi32>], vector<16xf32>,
      %gather3A_174 = tpu.vector_load_idx %arg4[%add3A_122, %add3A_164] : memref<128x64xf32, #tpu.memory_space<vmem>>[vector<16xi32>, vector<16xi32>], vector<16xf32>,
      tpu.vector_store_idx %arg6[%add3A_151, %add3A_101], %gather3A_154 : memref<64x128xf32, #tpu.memory_space<vmem>>[vector<16xi32>, vector<16xi32>], vector<16xf32>,
      tpu.vector_store_idx %arg6[%add3A_151, %add3A_104], %gather3A_155 : memref<64x128xf32, #tpu.memory_space<vmem>>[vector<16xi32>, vector<16xi32>], vector<16xf32>,
      tpu.vector_store_idx %arg6[%add3A_151, %add3A_107], %gather3A_156 : memref<64x128xf32, #tpu.memory_space<vmem>>[vector<16xi32>, vector<16xi32>], vector<16xf32>,
      tpu.vector_store_idx %arg6[%add3A_151, %add3A_110], %gather3A_157 : memref<64x128xf32, #tpu.memory_space<vmem>>[vector<16xi32>, vector<16xi32>], vector<16xf32>,
      tpu.vector_store_idx %arg6[%add3A_151, %add3A_113], %gather3A_158 : memref<64x128xf32, #tpu.memory_space<vmem>>[vector<16xi32>, vector<16xi32>], vector<16xf32>,
      tpu.vector_store_idx %arg6[%add3A_151, %add3A_116], %gather3A_159 : memref<64x128xf32, #tpu.memory_space<vmem>>[vector<16xi32>, vector<16xi32>], vector<16xf32>,
      tpu.vector_store_idx %arg6[%add3A_151, %add3A_119], %gather3A_160 : memref<64x128xf32, #tpu.memory_space<vmem>>[vector<16xi32>, vector<16xi32>], vector<16xf32>,
      tpu.vector_store_idx %arg6[%add3A_151, %add3A_122], %gather3A_161 : memref<64x128xf32, #tpu.memory_space<vmem>>[vector<16xi32>, vector<16xi32>], vector<16xf32>,
      %add3A_175 = arith.constant 1 : i32
      %add3A_176 = vector.broadcast %add3A_175 : i32 to vector<16xi32>
      %add3A_177 = arith.addi %add3A_164, %add3A_176 : vector<16xi32>
      %scan3A_178 = arith.constant 63 : i32
      tpu.vector_store_idx %arg6[%add3A_164, %add3A_101], %gather3A_167 : memref<64x128xf32, #tpu.memory_space<vmem>>[vector<16xi32>, vector<16xi32>], vector<16xf32>,
      tpu.vector_store_idx %arg6[%add3A_164, %add3A_104], %gather3A_168 : memref<64x128xf32, #tpu.memory_space<vmem>>[vector<16xi32>, vector<16xi32>], vector<16xf32>,
      tpu.vector_store_idx %arg6[%add3A_164, %add3A_107], %gather3A_169 : memref<64x128xf32, #tpu.memory_space<vmem>>[vector<16xi32>, vector<16xi32>], vector<16xf32>,
      tpu.vector_store_idx %arg6[%add3A_164, %add3A_110], %gather3A_170 : memref<64x128xf32, #tpu.memory_space<vmem>>[vector<16xi32>, vector<16xi32>], vector<16xf32>,
      tpu.vector_store_idx %arg6[%add3A_164, %add3A_113], %gather3A_171 : memref<64x128xf32, #tpu.memory_space<vmem>>[vector<16xi32>, vector<16xi32>], vector<16xf32>,
      tpu.vector_store_idx %arg6[%add3A_164, %add3A_116], %gather3A_172 : memref<64x128xf32, #tpu.memory_space<vmem>>[vector<16xi32>, vector<16xi32>], vector<16xf32>,
      tpu.vector_store_idx %arg6[%add3A_164, %add3A_119], %gather3A_173 : memref<64x128xf32, #tpu.memory_space<vmem>>[vector<16xi32>, vector<16xi32>], vector<16xf32>,
      tpu.vector_store_idx %arg6[%add3A_164, %add3A_122], %gather3A_174 : memref<64x128xf32, #tpu.memory_space<vmem>>[vector<16xi32>, vector<16xi32>], vector<16xf32>,
      %jit3A_179 = arith.constant 4 : i32
      %div3A_180 = arith.divsi %add3A_53, %jit3A_179 : i32
      %sign3A_181 = arith.constant 0 : i32
      %sign3A_182 = arith.cmpi sgt, %add3A_53, %sign3A_181 : i32
      %sign3A_183 = arith.extui %sign3A_182 : i1 to i32
      %sign3A_184 = arith.constant 0 : i32
      %sign3A_185 = arith.cmpi slt, %add3A_53, %sign3A_184 : i32
      %sign3A_186 = arith.extui %sign3A_185 : i1 to i32
      %sign3A_187 = arith.subi %sign3A_183, %sign3A_186 : i32
      %sign3A_188 = arith.constant 0 : i32
      %sign3A_189 = arith.cmpi sgt, %jit3A_179, %sign3A_188 : i32
      %sign3A_190 = arith.extui %sign3A_189 : i1 to i32
      %sign3A_191 = arith.constant 0 : i32
      %sign3A_192 = arith.cmpi slt, %jit3A_179, %sign3A_191 : i32
      %sign3A_193 = arith.extui %sign3A_192 : i1 to i32
      %sign3A_194 = arith.subi %sign3A_190, %sign3A_193 : i32
      %ne3A_195 = arith.cmpi ne, %sign3A_187, %sign3A_194 : i32
      %rem3A_196 = arith.remsi %add3A_53, %jit3A_179 : i32
      %ne3A_197 = arith.constant 0 : i32
      %ne3A_198 = arith.cmpi ne, %rem3A_196, %ne3A_197 : i32
      %and3A_199 = arith.andi %ne3A_195, %ne3A_198 : i1
      %sub3A_200 = arith.constant 1 : i32
      %sub3A_201 = arith.subi %div3A_180, %sub3A_200 : i32
      %select_n3A_202 = arith.select %and3A_199, %sub3A_201, %div3A_180 : i32
      %jit3A_203 = arith.constant 4 : i32
      %eq3A_204 = arith.constant 0 : i32
      %eq3A_205 = arith.cmpi eq, %jit3A_203, %eq3A_204 : i32
      %jit3A_206 = arith.constant 1 : i32
      %select_n3A_207 = arith.select %eq3A_205, %jit3A_206, %jit3A_203 : i32
      %rem3A_208 = arith.remsi %add3A_53, %select_n3A_207 : i32
      %ne3A_209 = arith.constant 0 : i32
      %ne3A_210 = arith.cmpi ne, %rem3A_208, %ne3A_209 : i32
      %lt3A_211 = arith.constant 0 : i32
      %lt3A_212 = arith.cmpi slt, %rem3A_208, %lt3A_211 : i32
      %lt3A_213 = arith.constant 0 : i32
      %lt3A_214 = arith.cmpi slt, %select_n3A_207, %lt3A_213 : i32
      %ne3A_215 = arith.xori %lt3A_212, %lt3A_214 : i1
      %and3A_216 = arith.andi %ne3A_215, %ne3A_210 : i1
      %add3A_217 = arith.addi %rem3A_208, %select_n3A_207 : i32
      %select_n3A_218 = arith.select %and3A_216, %add3A_217, %rem3A_208 : i32
      %mul3A_219 = arith.constant 512 : i32
      %mul3A_220 = arith.muli %add3A, %mul3A_219 : i32
      %mul3A_221 = arith.constant 128 : i32
      %mul3A_222 = arith.muli %select_n3A_218, %mul3A_221 : i32
      %add3A_223 = arith.addi %mul3A_220, %mul3A_222 : i32
      %multiple_of3A_224 = tpu.assume_multiple %add3A_223, 128 : i32
      %dma_start3A_225 = arith.constant 0 : i32
      %dma_start3A_226 = tpu.memref_slice %arg3[%select_n3A_202, %dma_start3A_225, %multiple_of3A_224] : memref<26x64x16384xf32, #tpu.memory_space<hbm>> -> memref<1x64x128xf32, #tpu.memory_space<hbm>>
      %dma_start3A_227 = tpu.memref_squeeze %dma_start3A_226 : memref<1x64x128xf32, #tpu.memory_space<hbm>> -> memref<64x128xf32, #tpu.memory_space<hbm>>
      %dma_start3A_228 = arith.constant 0 : i32
      %dma_start3A_229 = tpu.memref_slice %arg3[%select_n3A_202, %dma_start3A_228, %multiple_of3A_224] : memref<26x64x16384xf32, #tpu.memory_space<hbm>> -> memref<1x64x128xf32, #tpu.memory_space<hbm>>
      %dma_start3A_230 = tpu.memref_squeeze %dma_start3A_229 : memref<1x64x128xf32, #tpu.memory_space<hbm>> -> memref<64x128xf32, #tpu.memory_space<hbm>>
      tpu.enqueue_dma source(%arg6 : memref<64x128xf32, #tpu.memory_space<vmem>>) target(%dma_start3A_230 : memref<64x128xf32, #tpu.memory_space<hbm>>) target_semaphore(%arg10 : memref<!tpu.dma_semaphore, #tpu.memory_space<semaphore_mem>>)
      %add3A_231 = arith.constant 2 : i32
      %add3A_232 = arith.addi %add3A_53, %add3A_231 : i32
      %lt3A_233 = arith.constant 104 : i32
      %lt3A_234 = arith.cmpi slt, %add3A_232, %lt3A_233 : i32
      %convert_element_type3A_235 = arith.extui %lt3A_234 : i1 to i32
      %cond3A_236 = arith.constant 0 : i32
      %cond3A_237 = arith.cmpi ne, %convert_element_type3A_235, %cond3A_236 : i32
      scf.if %cond3A_237 {
        %add3A_441 = arith.constant 2 : i32
        %add3A_442 = arith.addi %add3A_53, %add3A_441 : i32
        %jit3A_443 = arith.constant 4 : i32
        %div3A_444 = arith.divsi %add3A_442, %jit3A_443 : i32
        %sign3A_445 = arith.constant 0 : i32
        %sign3A_446 = arith.cmpi sgt, %add3A_442, %sign3A_445 : i32
        %sign3A_447 = arith.extui %sign3A_446 : i1 to i32
        %sign3A_448 = arith.constant 0 : i32
        %sign3A_449 = arith.cmpi slt, %add3A_442, %sign3A_448 : i32
        %sign3A_450 = arith.extui %sign3A_449 : i1 to i32
        %sign3A_451 = arith.subi %sign3A_447, %sign3A_450 : i32
        %sign3A_452 = arith.constant 0 : i32
        %sign3A_453 = arith.cmpi sgt, %jit3A_443, %sign3A_452 : i32
        %sign3A_454 = arith.extui %sign3A_453 : i1 to i32
        %sign3A_455 = arith.constant 0 : i32
        %sign3A_456 = arith.cmpi slt, %jit3A_443, %sign3A_455 : i32
        %sign3A_457 = arith.extui %sign3A_456 : i1 to i32
        %sign3A_458 = arith.subi %sign3A_454, %sign3A_457 : i32
        %ne3A_459 = arith.cmpi ne, %sign3A_451, %sign3A_458 : i32
        %rem3A_460 = arith.remsi %add3A_442, %jit3A_443 : i32
        %ne3A_461 = arith.constant 0 : i32
        %ne3A_462 = arith.cmpi ne, %rem3A_460, %ne3A_461 : i32
        %and3A_463 = arith.andi %ne3A_459, %ne3A_462 : i1
        %sub3A_464 = arith.constant 1 : i32
        %sub3A_465 = arith.subi %div3A_444, %sub3A_464 : i32
        %select_n3A_466 = arith.select %and3A_463, %sub3A_465, %div3A_444 : i32
        %jit3A_467 = arith.constant 4 : i32
        %eq3A_468 = arith.constant 0 : i32
        %eq3A_469 = arith.cmpi eq, %jit3A_467, %eq3A_468 : i32
        %jit3A_470 = arith.constant 1 : i32
        %select_n3A_471 = arith.select %eq3A_469, %jit3A_470, %jit3A_467 : i32
        %rem3A_472 = arith.remsi %add3A_442, %select_n3A_471 : i32
        %ne3A_473 = arith.constant 0 : i32
        %ne3A_474 = arith.cmpi ne, %rem3A_472, %ne3A_473 : i32
        %lt3A_475 = arith.constant 0 : i32
        %lt3A_476 = arith.cmpi slt, %rem3A_472, %lt3A_475 : i32
        %lt3A_477 = arith.constant 0 : i32
        %lt3A_478 = arith.cmpi slt, %select_n3A_471, %lt3A_477 : i32
        %ne3A_479 = arith.xori %lt3A_476, %lt3A_478 : i1
        %and3A_480 = arith.andi %ne3A_479, %ne3A_474 : i1
        %add3A_481 = arith.addi %rem3A_472, %select_n3A_471 : i32
        %select_n3A_482 = arith.select %and3A_480, %add3A_481, %rem3A_472 : i32
        %mul3A_483 = arith.constant 16384 : i32
        %mul3A_484 = arith.muli %select_n3A_466, %mul3A_483 : i32
        %mul3A_485 = arith.constant 512 : i32
        %mul3A_486 = arith.muli %add3A, %mul3A_485 : i32
        %add3A_487 = arith.addi %mul3A_484, %mul3A_486 : i32
        %mul3A_488 = arith.constant 128 : i32
        %mul3A_489 = arith.muli %select_n3A_482, %mul3A_488 : i32
        %add3A_490 = arith.addi %add3A_487, %mul3A_489 : i32
        %multiple_of3A_491 = tpu.assume_multiple %add3A_490, 128 : i32
        %dma_start3A_492 = arith.constant 0 : i32
        %dma_start3A_493 = tpu.memref_slice %arg2[%multiple_of3A_491, %dma_start3A_492] : memref<425984x64xf32, #tpu.memory_space<hbm>> -> memref<128x64xf32, #tpu.memory_space<hbm>>
        %dma_start3A_494 = arith.constant 0 : i32
        %dma_start3A_495 = tpu.memref_slice %arg2[%multiple_of3A_491, %dma_start3A_494] : memref<425984x64xf32, #tpu.memory_space<hbm>> -> memref<128x64xf32, #tpu.memory_space<hbm>>
        tpu.enqueue_dma source(%dma_start3A_495 : memref<128x64xf32, #tpu.memory_space<hbm>>) target(%arg4 : memref<128x64xf32, #tpu.memory_space<vmem>>) target_semaphore(%arg8 : memref<!tpu.dma_semaphore, #tpu.memory_space<semaphore_mem>>)
      } else {
      }
      %mul3A_238 = arith.constant 2 : i32
      %mul3A_239 = arith.muli %mul3A_238, %scan3A_49 : i32
      %add3A_240 = arith.constant 1 : i32
      %add3A_241 = arith.addi %mul3A_239, %add3A_240 : i32
      %jit3A_242 = arith.constant 4 : i32
      %div3A_243 = arith.divsi %add3A_241, %jit3A_242 : i32
      %sign3A_244 = arith.constant 0 : i32
      %sign3A_245 = arith.cmpi sgt, %add3A_241, %sign3A_244 : i32
      %sign3A_246 = arith.extui %sign3A_245 : i1 to i32
      %sign3A_247 = arith.constant 0 : i32
      %sign3A_248 = arith.cmpi slt, %add3A_241, %sign3A_247 : i32
      %sign3A_249 = arith.extui %sign3A_248 : i1 to i32
      %sign3A_250 = arith.subi %sign3A_246, %sign3A_249 : i32
      %sign3A_251 = arith.constant 0 : i32
      %sign3A_252 = arith.cmpi sgt, %jit3A_242, %sign3A_251 : i32
      %sign3A_253 = arith.extui %sign3A_252 : i1 to i32
      %sign3A_254 = arith.constant 0 : i32
      %sign3A_255 = arith.cmpi slt, %jit3A_242, %sign3A_254 : i32
      %sign3A_256 = arith.extui %sign3A_255 : i1 to i32
      %sign3A_257 = arith.subi %sign3A_253, %sign3A_256 : i32
      %ne3A_258 = arith.cmpi ne, %sign3A_250, %sign3A_257 : i32
      %rem3A_259 = arith.remsi %add3A_241, %jit3A_242 : i32
      %ne3A_260 = arith.constant 0 : i32
      %ne3A_261 = arith.cmpi ne, %rem3A_259, %ne3A_260 : i32
      %and3A_262 = arith.andi %ne3A_258, %ne3A_261 : i1
      %sub3A_263 = arith.constant 1 : i32
      %sub3A_264 = arith.subi %div3A_243, %sub3A_263 : i32
      %select_n3A_265 = arith.select %and3A_262, %sub3A_264, %div3A_243 : i32
      %jit3A_266 = arith.constant 4 : i32
      %eq3A_267 = arith.constant 0 : i32
      %eq3A_268 = arith.cmpi eq, %jit3A_266, %eq3A_267 : i32
      %jit3A_269 = arith.constant 1 : i32
      %select_n3A_270 = arith.select %eq3A_268, %jit3A_269, %jit3A_266 : i32
      %rem3A_271 = arith.remsi %add3A_241, %select_n3A_270 : i32
      %ne3A_272 = arith.constant 0 : i32
      %ne3A_273 = arith.cmpi ne, %rem3A_271, %ne3A_272 : i32
      %lt3A_274 = arith.constant 0 : i32
      %lt3A_275 = arith.cmpi slt, %rem3A_271, %lt3A_274 : i32
      %lt3A_276 = arith.constant 0 : i32
      %lt3A_277 = arith.cmpi slt, %select_n3A_270, %lt3A_276 : i32
      %ne3A_278 = arith.xori %lt3A_275, %lt3A_277 : i1
      %and3A_279 = arith.andi %ne3A_278, %ne3A_273 : i1
      %add3A_280 = arith.addi %rem3A_271, %select_n3A_270 : i32
      %select_n3A_281 = arith.select %and3A_279, %add3A_280, %rem3A_271 : i32
      %mul3A_282 = arith.constant 16384 : i32
      %mul3A_283 = arith.muli %select_n3A_265, %mul3A_282 : i32
      %mul3A_284 = arith.constant 512 : i32
      %mul3A_285 = arith.muli %add3A, %mul3A_284 : i32
      %add3A_286 = arith.addi %mul3A_283, %mul3A_285 : i32
      %mul3A_287 = arith.constant 128 : i32
      %mul3A_288 = arith.muli %select_n3A_281, %mul3A_287 : i32
      %add3A_289 = arith.addi %add3A_286, %mul3A_288 : i32
      %multiple_of3A_290 = tpu.assume_multiple %add3A_289, 128 : i32
      %dma_wait3A_291 = arith.constant 0 : i32
      %dma_wait3A_292 = tpu.memref_slice %arg2[%multiple_of3A_290, %dma_wait3A_291] : memref<425984x64xf32, #tpu.memory_space<hbm>> -> memref<128x64xf32, #tpu.memory_space<hbm>>
      %dma_wait3A_293 = arith.constant 0 : i32
      %dma_wait3A_294 = tpu.memref_slice %arg2[%multiple_of3A_290, %dma_wait3A_293] : memref<425984x64xf32, #tpu.memory_space<hbm>> -> memref<128x64xf32, #tpu.memory_space<hbm>>
      tpu.wait_dma2 semaphore(%arg9 : memref<!tpu.dma_semaphore, #tpu.memory_space<semaphore_mem>>) src(%dma_wait3A_294 : memref<128x64xf32, #tpu.memory_space<hbm>>) dst(%arg5 : memref<128x64xf32, #tpu.memory_space<vmem>>)
      %ge3A_295 = arith.constant 2 : i32
      %ge3A_296 = arith.cmpi sge, %add3A_241, %ge3A_295 : i32
      %convert_element_type3A_297 = arith.extui %ge3A_296 : i1 to i32
      %cond3A_298 = arith.constant 0 : i32
      %cond3A_299 = arith.cmpi ne, %convert_element_type3A_297, %cond3A_298 : i32
      scf.if %cond3A_299 {
        %sub3A_441 = arith.constant 2 : i32
        %sub3A_442 = arith.subi %add3A_241, %sub3A_441 : i32
        %jit3A_443 = arith.constant 4 : i32
        %div3A_444 = arith.divsi %sub3A_442, %jit3A_443 : i32
        %sign3A_445 = arith.constant 0 : i32
        %sign3A_446 = arith.cmpi sgt, %sub3A_442, %sign3A_445 : i32
        %sign3A_447 = arith.extui %sign3A_446 : i1 to i32
        %sign3A_448 = arith.constant 0 : i32
        %sign3A_449 = arith.cmpi slt, %sub3A_442, %sign3A_448 : i32
        %sign3A_450 = arith.extui %sign3A_449 : i1 to i32
        %sign3A_451 = arith.subi %sign3A_447, %sign3A_450 : i32
        %sign3A_452 = arith.constant 0 : i32
        %sign3A_453 = arith.cmpi sgt, %jit3A_443, %sign3A_452 : i32
        %sign3A_454 = arith.extui %sign3A_453 : i1 to i32
        %sign3A_455 = arith.constant 0 : i32
        %sign3A_456 = arith.cmpi slt, %jit3A_443, %sign3A_455 : i32
        %sign3A_457 = arith.extui %sign3A_456 : i1 to i32
        %sign3A_458 = arith.subi %sign3A_454, %sign3A_457 : i32
        %ne3A_459 = arith.cmpi ne, %sign3A_451, %sign3A_458 : i32
        %rem3A_460 = arith.remsi %sub3A_442, %jit3A_443 : i32
        %ne3A_461 = arith.constant 0 : i32
        %ne3A_462 = arith.cmpi ne, %rem3A_460, %ne3A_461 : i32
        %and3A_463 = arith.andi %ne3A_459, %ne3A_462 : i1
        %sub3A_464 = arith.constant 1 : i32
        %sub3A_465 = arith.subi %div3A_444, %sub3A_464 : i32
        %select_n3A_466 = arith.select %and3A_463, %sub3A_465, %div3A_444 : i32
        %jit3A_467 = arith.constant 4 : i32
        %eq3A_468 = arith.constant 0 : i32
        %eq3A_469 = arith.cmpi eq, %jit3A_467, %eq3A_468 : i32
        %jit3A_470 = arith.constant 1 : i32
        %select_n3A_471 = arith.select %eq3A_469, %jit3A_470, %jit3A_467 : i32
        %rem3A_472 = arith.remsi %sub3A_442, %select_n3A_471 : i32
        %ne3A_473 = arith.constant 0 : i32
        %ne3A_474 = arith.cmpi ne, %rem3A_472, %ne3A_473 : i32
        %lt3A_475 = arith.constant 0 : i32
        %lt3A_476 = arith.cmpi slt, %rem3A_472, %lt3A_475 : i32
        %lt3A_477 = arith.constant 0 : i32
        %lt3A_478 = arith.cmpi slt, %select_n3A_471, %lt3A_477 : i32
        %ne3A_479 = arith.xori %lt3A_476, %lt3A_478 : i1
        %and3A_480 = arith.andi %ne3A_479, %ne3A_474 : i1
        %add3A_481 = arith.addi %rem3A_472, %select_n3A_471 : i32
        %select_n3A_482 = arith.select %and3A_480, %add3A_481, %rem3A_472 : i32
        %mul3A_483 = arith.constant 512 : i32
        %mul3A_484 = arith.muli %add3A, %mul3A_483 : i32
        %mul3A_485 = arith.constant 128 : i32
        %mul3A_486 = arith.muli %select_n3A_482, %mul3A_485 : i32
        %add3A_487 = arith.addi %mul3A_484, %mul3A_486 : i32
        %multiple_of3A_488 = tpu.assume_multiple %add3A_487, 128 : i32
        %dma_wait3A_489 = arith.constant 0 : i32
        %dma_wait3A_490 = tpu.memref_slice %arg3[%select_n3A_466, %dma_wait3A_489, %multiple_of3A_488] : memref<26x64x16384xf32, #tpu.memory_space<hbm>> -> memref<1x64x128xf32, #tpu.memory_space<hbm>>
        %dma_wait3A_491 = tpu.memref_squeeze %dma_wait3A_490 : memref<1x64x128xf32, #tpu.memory_space<hbm>> -> memref<64x128xf32, #tpu.memory_space<hbm>>
        %dma_wait3A_492 = arith.constant 0 : i32
        %dma_wait3A_493 = tpu.memref_slice %arg3[%select_n3A_466, %dma_wait3A_492, %multiple_of3A_488] : memref<26x64x16384xf32, #tpu.memory_space<hbm>> -> memref<1x64x128xf32, #tpu.memory_space<hbm>>
        %dma_wait3A_494 = tpu.memref_squeeze %dma_wait3A_493 : memref<1x64x128xf32, #tpu.memory_space<hbm>> -> memref<64x128xf32, #tpu.memory_space<hbm>>
        tpu.wait_dma2 semaphore(%arg11 : memref<!tpu.dma_semaphore, #tpu.memory_space<semaphore_mem>>) src(%arg7 : memref<64x128xf32, #tpu.memory_space<vmem>>) dst(%dma_wait3A_494 : memref<64x128xf32, #tpu.memory_space<hbm>>)
      } else {
      }
      %add3A_300 = arith.constant 0 : i32
      %add3A_301 = vector.broadcast %add3A_300 : i32 to vector<16xi32>
      %add3A_302 = arith.addi %add3A_301, %iota3A : vector<16xi32>
      %add3A_303 = arith.constant 16 : i32
      %add3A_304 = vector.broadcast %add3A_303 : i32 to vector<16xi32>
      %add3A_305 = arith.addi %add3A_304, %iota3A : vector<16xi32>
      %add3A_306 = arith.constant 32 : i32
      %add3A_307 = vector.broadcast %add3A_306 : i32 to vector<16xi32>
      %add3A_308 = arith.addi %add3A_307, %iota3A : vector<16xi32>
      %add3A_309 = arith.constant 48 : i32
      %add3A_310 = vector.broadcast %add3A_309 : i32 to vector<16xi32>
      %add3A_311 = arith.addi %add3A_310, %iota3A : vector<16xi32>
      %add3A_312 = arith.constant 64 : i32
      %add3A_313 = vector.broadcast %add3A_312 : i32 to vector<16xi32>
      %add3A_314 = arith.addi %add3A_313, %iota3A : vector<16xi32>
      %add3A_315 = arith.constant 80 : i32
      %add3A_316 = vector.broadcast %add3A_315 : i32 to vector<16xi32>
      %add3A_317 = arith.addi %add3A_316, %iota3A : vector<16xi32>
      %add3A_318 = arith.constant 96 : i32
      %add3A_319 = vector.broadcast %add3A_318 : i32 to vector<16xi32>
      %add3A_320 = arith.addi %add3A_319, %iota3A : vector<16xi32>
      %add3A_321 = arith.constant 112 : i32
      %add3A_322 = vector.broadcast %add3A_321 : i32 to vector<16xi32>
      %add3A_323 = arith.addi %add3A_322, %iota3A : vector<16xi32>
      %broadcast_in_dim3A_324 = arith.constant 0 : i32
      %broadcast_in_dim3A_325 = vector.broadcast %broadcast_in_dim3A_324 : i32 to vector<16xi32>
      %add3A_326 = arith.constant 1 : i32
      %add3A_327 = vector.broadcast %add3A_326 : i32 to vector<16xi32>
      %add3A_328 = arith.addi %broadcast_in_dim3A_325, %add3A_327 : vector<16xi32>
      %gather3A_329 = tpu.vector_load_idx %arg5[%add3A_302, %broadcast_in_dim3A_325] : memref<128x64xf32, #tpu.memory_space<vmem>>[vector<16xi32>, vector<16xi32>], vector<16xf32>,
      %gather3A_330 = tpu.vector_load_idx %arg5[%add3A_305, %broadcast_in_dim3A_325] : memref<128x64xf32, #tpu.memory_space<vmem>>[vector<16xi32>, vector<16xi32>], vector<16xf32>,
      %gather3A_331 = tpu.vector_load_idx %arg5[%add3A_308, %broadcast_in_dim3A_325] : memref<128x64xf32, #tpu.memory_space<vmem>>[vector<16xi32>, vector<16xi32>], vector<16xf32>,
      %gather3A_332 = tpu.vector_load_idx %arg5[%add3A_311, %broadcast_in_dim3A_325] : memref<128x64xf32, #tpu.memory_space<vmem>>[vector<16xi32>, vector<16xi32>], vector<16xf32>,
      %gather3A_333 = tpu.vector_load_idx %arg5[%add3A_314, %broadcast_in_dim3A_325] : memref<128x64xf32, #tpu.memory_space<vmem>>[vector<16xi32>, vector<16xi32>], vector<16xf32>,
      %gather3A_334 = tpu.vector_load_idx %arg5[%add3A_317, %broadcast_in_dim3A_325] : memref<128x64xf32, #tpu.memory_space<vmem>>[vector<16xi32>, vector<16xi32>], vector<16xf32>,
      %gather3A_335 = tpu.vector_load_idx %arg5[%add3A_320, %broadcast_in_dim3A_325] : memref<128x64xf32, #tpu.memory_space<vmem>>[vector<16xi32>, vector<16xi32>], vector<16xf32>,
      %gather3A_336 = tpu.vector_load_idx %arg5[%add3A_323, %broadcast_in_dim3A_325] : memref<128x64xf32, #tpu.memory_space<vmem>>[vector<16xi32>, vector<16xi32>], vector<16xf32>,
      %scan3A_337 = arith.constant 1 : i32
      %scan3A_338 = arith.constant 60 : i32
      %scan3A_339 = arith.addi %scan3A_337, %scan3A_338 : i32
      %scan3A_340 = arith.constant 4 : i32
      %scan3A_341:10 = scf.for %scan3A_441 = %scan3A_337 to %scan3A_339 step %scan3A_340 iter_args(%scan3A_442 = %add3A_328, %scan3A_443 = %broadcast_in_dim3A_325, %scan3A_444 = %gather3A_329, %scan3A_445 = %gather3A_330, %scan3A_446 = %gather3A_331, %scan3A_447 = %gather3A_332, %scan3A_448 = %gather3A_333, %scan3A_449 = %gather3A_334, %scan3A_450 = %gather3A_335, %scan3A_451 = %gather3A_336) -> (vector<16xi32>, vector<16xi32>, vector<16xf32>, vector<16xf32>, vector<16xf32>, vector<16xf32>, vector<16xf32>, vector<16xf32>, vector<16xf32>, vector<16xf32>)  : i32 {
        %gather3A_452 = tpu.vector_load_idx %arg5[%add3A_302, %scan3A_442] : memref<128x64xf32, #tpu.memory_space<vmem>>[vector<16xi32>, vector<16xi32>], vector<16xf32>,
        %gather3A_453 = tpu.vector_load_idx %arg5[%add3A_305, %scan3A_442] : memref<128x64xf32, #tpu.memory_space<vmem>>[vector<16xi32>, vector<16xi32>], vector<16xf32>,
        %gather3A_454 = tpu.vector_load_idx %arg5[%add3A_308, %scan3A_442] : memref<128x64xf32, #tpu.memory_space<vmem>>[vector<16xi32>, vector<16xi32>], vector<16xf32>,
        %gather3A_455 = tpu.vector_load_idx %arg5[%add3A_311, %scan3A_442] : memref<128x64xf32, #tpu.memory_space<vmem>>[vector<16xi32>, vector<16xi32>], vector<16xf32>,
        %gather3A_456 = tpu.vector_load_idx %arg5[%add3A_314, %scan3A_442] : memref<128x64xf32, #tpu.memory_space<vmem>>[vector<16xi32>, vector<16xi32>], vector<16xf32>,
        %gather3A_457 = tpu.vector_load_idx %arg5[%add3A_317, %scan3A_442] : memref<128x64xf32, #tpu.memory_space<vmem>>[vector<16xi32>, vector<16xi32>], vector<16xf32>,
        %gather3A_458 = tpu.vector_load_idx %arg5[%add3A_320, %scan3A_442] : memref<128x64xf32, #tpu.memory_space<vmem>>[vector<16xi32>, vector<16xi32>], vector<16xf32>,
        %gather3A_459 = tpu.vector_load_idx %arg5[%add3A_323, %scan3A_442] : memref<128x64xf32, #tpu.memory_space<vmem>>[vector<16xi32>, vector<16xi32>], vector<16xf32>,
        tpu.vector_store_idx %arg7[%scan3A_443, %add3A_302], %scan3A_444 : memref<64x128xf32, #tpu.memory_space<vmem>>[vector<16xi32>, vector<16xi32>], vector<16xf32>,
        tpu.vector_store_idx %arg7[%scan3A_443, %add3A_305], %scan3A_445 : memref<64x128xf32, #tpu.memory_space<vmem>>[vector<16xi32>, vector<16xi32>], vector<16xf32>,
        tpu.vector_store_idx %arg7[%scan3A_443, %add3A_308], %scan3A_446 : memref<64x128xf32, #tpu.memory_space<vmem>>[vector<16xi32>, vector<16xi32>], vector<16xf32>,
        tpu.vector_store_idx %arg7[%scan3A_443, %add3A_311], %scan3A_447 : memref<64x128xf32, #tpu.memory_space<vmem>>[vector<16xi32>, vector<16xi32>], vector<16xf32>,
        tpu.vector_store_idx %arg7[%scan3A_443, %add3A_314], %scan3A_448 : memref<64x128xf32, #tpu.memory_space<vmem>>[vector<16xi32>, vector<16xi32>], vector<16xf32>,
        tpu.vector_store_idx %arg7[%scan3A_443, %add3A_317], %scan3A_449 : memref<64x128xf32, #tpu.memory_space<vmem>>[vector<16xi32>, vector<16xi32>], vector<16xf32>,
        tpu.vector_store_idx %arg7[%scan3A_443, %add3A_320], %scan3A_450 : memref<64x128xf32, #tpu.memory_space<vmem>>[vector<16xi32>, vector<16xi32>], vector<16xf32>,
        tpu.vector_store_idx %arg7[%scan3A_443, %add3A_323], %scan3A_451 : memref<64x128xf32, #tpu.memory_space<vmem>>[vector<16xi32>, vector<16xi32>], vector<16xf32>,
        %add3A_460 = arith.constant 1 : i32
        %add3A_461 = vector.broadcast %add3A_460 : i32 to vector<16xi32>
        %add3A_462 = arith.addi %scan3A_442, %add3A_461 : vector<16xi32>
        %scan3A_463 = arith.constant 1 : i32
        %scan3A_464 = arith.addi %scan3A_441, %scan3A_463 : i32
        %gather3A_465 = tpu.vector_load_idx %arg5[%add3A_302, %add3A_462] : memref<128x64xf32, #tpu.memory_space<vmem>>[vector<16xi32>, vector<16xi32>], vector<16xf32>,
        %gather3A_466 = tpu.vector_load_idx %arg5[%add3A_305, %add3A_462] : memref<128x64xf32, #tpu.memory_space<vmem>>[vector<16xi32>, vector<16xi32>], vector<16xf32>,
        %gather3A_467 = tpu.vector_load_idx %arg5[%add3A_308, %add3A_462] : memref<128x64xf32, #tpu.memory_space<vmem>>[vector<16xi32>, vector<16xi32>], vector<16xf32>,
        %gather3A_468 = tpu.vector_load_idx %arg5[%add3A_311, %add3A_462] : memref<128x64xf32, #tpu.memory_space<vmem>>[vector<16xi32>, vector<16xi32>], vector<16xf32>,
        %gather3A_469 = tpu.vector_load_idx %arg5[%add3A_314, %add3A_462] : memref<128x64xf32, #tpu.memory_space<vmem>>[vector<16xi32>, vector<16xi32>], vector<16xf32>,
        %gather3A_470 = tpu.vector_load_idx %arg5[%add3A_317, %add3A_462] : memref<128x64xf32, #tpu.memory_space<vmem>>[vector<16xi32>, vector<16xi32>], vector<16xf32>,
        %gather3A_471 = tpu.vector_load_idx %arg5[%add3A_320, %add3A_462] : memref<128x64xf32, #tpu.memory_space<vmem>>[vector<16xi32>, vector<16xi32>], vector<16xf32>,
        %gather3A_472 = tpu.vector_load_idx %arg5[%add3A_323, %add3A_462] : memref<128x64xf32, #tpu.memory_space<vmem>>[vector<16xi32>, vector<16xi32>], vector<16xf32>,
        tpu.vector_store_idx %arg7[%scan3A_442, %add3A_302], %gather3A_452 : memref<64x128xf32, #tpu.memory_space<vmem>>[vector<16xi32>, vector<16xi32>], vector<16xf32>,
        tpu.vector_store_idx %arg7[%scan3A_442, %add3A_305], %gather3A_453 : memref<64x128xf32, #tpu.memory_space<vmem>>[vector<16xi32>, vector<16xi32>], vector<16xf32>,
        tpu.vector_store_idx %arg7[%scan3A_442, %add3A_308], %gather3A_454 : memref<64x128xf32, #tpu.memory_space<vmem>>[vector<16xi32>, vector<16xi32>], vector<16xf32>,
        tpu.vector_store_idx %arg7[%scan3A_442, %add3A_311], %gather3A_455 : memref<64x128xf32, #tpu.memory_space<vmem>>[vector<16xi32>, vector<16xi32>], vector<16xf32>,
        tpu.vector_store_idx %arg7[%scan3A_442, %add3A_314], %gather3A_456 : memref<64x128xf32, #tpu.memory_space<vmem>>[vector<16xi32>, vector<16xi32>], vector<16xf32>,
        tpu.vector_store_idx %arg7[%scan3A_442, %add3A_317], %gather3A_457 : memref<64x128xf32, #tpu.memory_space<vmem>>[vector<16xi32>, vector<16xi32>], vector<16xf32>,
        tpu.vector_store_idx %arg7[%scan3A_442, %add3A_320], %gather3A_458 : memref<64x128xf32, #tpu.memory_space<vmem>>[vector<16xi32>, vector<16xi32>], vector<16xf32>,
        tpu.vector_store_idx %arg7[%scan3A_442, %add3A_323], %gather3A_459 : memref<64x128xf32, #tpu.memory_space<vmem>>[vector<16xi32>, vector<16xi32>], vector<16xf32>,
        %add3A_473 = arith.constant 1 : i32
        %add3A_474 = vector.broadcast %add3A_473 : i32 to vector<16xi32>
        %add3A_475 = arith.addi %add3A_462, %add3A_474 : vector<16xi32>
        %scan3A_476 = arith.constant 2 : i32
        %scan3A_477 = arith.addi %scan3A_441, %scan3A_476 : i32
        %gather3A_478 = tpu.vector_load_idx %arg5[%add3A_302, %add3A_475] : memref<128x64xf32, #tpu.memory_space<vmem>>[vector<16xi32>, vector<16xi32>], vector<16xf32>,
        %gather3A_479 = tpu.vector_load_idx %arg5[%add3A_305, %add3A_475] : memref<128x64xf32, #tpu.memory_space<vmem>>[vector<16xi32>, vector<16xi32>], vector<16xf32>,
        %gather3A_480 = tpu.vector_load_idx %arg5[%add3A_308, %add3A_475] : memref<128x64xf32, #tpu.memory_space<vmem>>[vector<16xi32>, vector<16xi32>], vector<16xf32>,
        %gather3A_481 = tpu.vector_load_idx %arg5[%add3A_311, %add3A_475] : memref<128x64xf32, #tpu.memory_space<vmem>>[vector<16xi32>, vector<16xi32>], vector<16xf32>,
        %gather3A_482 = tpu.vector_load_idx %arg5[%add3A_314, %add3A_475] : memref<128x64xf32, #tpu.memory_space<vmem>>[vector<16xi32>, vector<16xi32>], vector<16xf32>,
        %gather3A_483 = tpu.vector_load_idx %arg5[%add3A_317, %add3A_475] : memref<128x64xf32, #tpu.memory_space<vmem>>[vector<16xi32>, vector<16xi32>], vector<16xf32>,
        %gather3A_484 = tpu.vector_load_idx %arg5[%add3A_320, %add3A_475] : memref<128x64xf32, #tpu.memory_space<vmem>>[vector<16xi32>, vector<16xi32>], vector<16xf32>,
        %gather3A_485 = tpu.vector_load_idx %arg5[%add3A_323, %add3A_475] : memref<128x64xf32, #tpu.memory_space<vmem>>[vector<16xi32>, vector<16xi32>], vector<16xf32>,
        tpu.vector_store_idx %arg7[%add3A_462, %add3A_302], %gather3A_465 : memref<64x128xf32, #tpu.memory_space<vmem>>[vector<16xi32>, vector<16xi32>], vector<16xf32>,
        tpu.vector_store_idx %arg7[%add3A_462, %add3A_305], %gather3A_466 : memref<64x128xf32, #tpu.memory_space<vmem>>[vector<16xi32>, vector<16xi32>], vector<16xf32>,
        tpu.vector_store_idx %arg7[%add3A_462, %add3A_308], %gather3A_467 : memref<64x128xf32, #tpu.memory_space<vmem>>[vector<16xi32>, vector<16xi32>], vector<16xf32>,
        tpu.vector_store_idx %arg7[%add3A_462, %add3A_311], %gather3A_468 : memref<64x128xf32, #tpu.memory_space<vmem>>[vector<16xi32>, vector<16xi32>], vector<16xf32>,
        tpu.vector_store_idx %arg7[%add3A_462, %add3A_314], %gather3A_469 : memref<64x128xf32, #tpu.memory_space<vmem>>[vector<16xi32>, vector<16xi32>], vector<16xf32>,
        tpu.vector_store_idx %arg7[%add3A_462, %add3A_317], %gather3A_470 : memref<64x128xf32, #tpu.memory_space<vmem>>[vector<16xi32>, vector<16xi32>], vector<16xf32>,
        tpu.vector_store_idx %arg7[%add3A_462, %add3A_320], %gather3A_471 : memref<64x128xf32, #tpu.memory_space<vmem>>[vector<16xi32>, vector<16xi32>], vector<16xf32>,
        tpu.vector_store_idx %arg7[%add3A_462, %add3A_323], %gather3A_472 : memref<64x128xf32, #tpu.memory_space<vmem>>[vector<16xi32>, vector<16xi32>], vector<16xf32>,
        %add3A_486 = arith.constant 1 : i32
        %add3A_487 = vector.broadcast %add3A_486 : i32 to vector<16xi32>
        %add3A_488 = arith.addi %add3A_475, %add3A_487 : vector<16xi32>
        %scan3A_489 = arith.constant 3 : i32
        %scan3A_490 = arith.addi %scan3A_441, %scan3A_489 : i32
        %gather3A_491 = tpu.vector_load_idx %arg5[%add3A_302, %add3A_488] : memref<128x64xf32, #tpu.memory_space<vmem>>[vector<16xi32>, vector<16xi32>], vector<16xf32>,
        %gather3A_492 = tpu.vector_load_idx %arg5[%add3A_305, %add3A_488] : memref<128x64xf32, #tpu.memory_space<vmem>>[vector<16xi32>, vector<16xi32>], vector<16xf32>,
        %gather3A_493 = tpu.vector_load_idx %arg5[%add3A_308, %add3A_488] : memref<128x64xf32, #tpu.memory_space<vmem>>[vector<16xi32>, vector<16xi32>], vector<16xf32>,
        %gather3A_494 = tpu.vector_load_idx %arg5[%add3A_311, %add3A_488] : memref<128x64xf32, #tpu.memory_space<vmem>>[vector<16xi32>, vector<16xi32>], vector<16xf32>,
        %gather3A_495 = tpu.vector_load_idx %arg5[%add3A_314, %add3A_488] : memref<128x64xf32, #tpu.memory_space<vmem>>[vector<16xi32>, vector<16xi32>], vector<16xf32>,
        %gather3A_496 = tpu.vector_load_idx %arg5[%add3A_317, %add3A_488] : memref<128x64xf32, #tpu.memory_space<vmem>>[vector<16xi32>, vector<16xi32>], vector<16xf32>,
        %gather3A_497 = tpu.vector_load_idx %arg5[%add3A_320, %add3A_488] : memref<128x64xf32, #tpu.memory_space<vmem>>[vector<16xi32>, vector<16xi32>], vector<16xf32>,
        %gather3A_498 = tpu.vector_load_idx %arg5[%add3A_323, %add3A_488] : memref<128x64xf32, #tpu.memory_space<vmem>>[vector<16xi32>, vector<16xi32>], vector<16xf32>,
        tpu.vector_store_idx %arg7[%add3A_475, %add3A_302], %gather3A_478 : memref<64x128xf32, #tpu.memory_space<vmem>>[vector<16xi32>, vector<16xi32>], vector<16xf32>,
        tpu.vector_store_idx %arg7[%add3A_475, %add3A_305], %gather3A_479 : memref<64x128xf32, #tpu.memory_space<vmem>>[vector<16xi32>, vector<16xi32>], vector<16xf32>,
        tpu.vector_store_idx %arg7[%add3A_475, %add3A_308], %gather3A_480 : memref<64x128xf32, #tpu.memory_space<vmem>>[vector<16xi32>, vector<16xi32>], vector<16xf32>,
        tpu.vector_store_idx %arg7[%add3A_475, %add3A_311], %gather3A_481 : memref<64x128xf32, #tpu.memory_space<vmem>>[vector<16xi32>, vector<16xi32>], vector<16xf32>,
        tpu.vector_store_idx %arg7[%add3A_475, %add3A_314], %gather3A_482 : memref<64x128xf32, #tpu.memory_space<vmem>>[vector<16xi32>, vector<16xi32>], vector<16xf32>,
        tpu.vector_store_idx %arg7[%add3A_475, %add3A_317], %gather3A_483 : memref<64x128xf32, #tpu.memory_space<vmem>>[vector<16xi32>, vector<16xi32>], vector<16xf32>,
        tpu.vector_store_idx %arg7[%add3A_475, %add3A_320], %gather3A_484 : memref<64x128xf32, #tpu.memory_space<vmem>>[vector<16xi32>, vector<16xi32>], vector<16xf32>,
        tpu.vector_store_idx %arg7[%add3A_475, %add3A_323], %gather3A_485 : memref<64x128xf32, #tpu.memory_space<vmem>>[vector<16xi32>, vector<16xi32>], vector<16xf32>,
        %add3A_499 = arith.constant 1 : i32
        %add3A_500 = vector.broadcast %add3A_499 : i32 to vector<16xi32>
        %add3A_501 = arith.addi %add3A_488, %add3A_500 : vector<16xi32>
        scf.yield %add3A_501, %add3A_488, %gather3A_491, %gather3A_492, %gather3A_493, %gather3A_494, %gather3A_495, %gather3A_496, %gather3A_497, %gather3A_498 : vector<16xi32>, vector<16xi32>, vector<16xf32>, vector<16xf32>, vector<16xf32>, vector<16xf32>, vector<16xf32>, vector<16xf32>, vector<16xf32>, vector<16xf32>
      }
      %scan3A_342 = arith.constant 60 : i32
      %scan3A_343 = arith.addi %scan3A_337, %scan3A_342 : i32
      %gather3A_344 = tpu.vector_load_idx %arg5[%add3A_302, %scan3A_341#0] : memref<128x64xf32, #tpu.memory_space<vmem>>[vector<16xi32>, vector<16xi32>], vector<16xf32>,
      %gather3A_345 = tpu.vector_load_idx %arg5[%add3A_305, %scan3A_341#0] : memref<128x64xf32, #tpu.memory_space<vmem>>[vector<16xi32>, vector<16xi32>], vector<16xf32>,
      %gather3A_346 = tpu.vector_load_idx %arg5[%add3A_308, %scan3A_341#0] : memref<128x64xf32, #tpu.memory_space<vmem>>[vector<16xi32>, vector<16xi32>], vector<16xf32>,
      %gather3A_347 = tpu.vector_load_idx %arg5[%add3A_311, %scan3A_341#0] : memref<128x64xf32, #tpu.memory_space<vmem>>[vector<16xi32>, vector<16xi32>], vector<16xf32>,
      %gather3A_348 = tpu.vector_load_idx %arg5[%add3A_314, %scan3A_341#0] : memref<128x64xf32, #tpu.memory_space<vmem>>[vector<16xi32>, vector<16xi32>], vector<16xf32>,
      %gather3A_349 = tpu.vector_load_idx %arg5[%add3A_317, %scan3A_341#0] : memref<128x64xf32, #tpu.memory_space<vmem>>[vector<16xi32>, vector<16xi32>], vector<16xf32>,
      %gather3A_350 = tpu.vector_load_idx %arg5[%add3A_320, %scan3A_341#0] : memref<128x64xf32, #tpu.memory_space<vmem>>[vector<16xi32>, vector<16xi32>], vector<16xf32>,
      %gather3A_351 = tpu.vector_load_idx %arg5[%add3A_323, %scan3A_341#0] : memref<128x64xf32, #tpu.memory_space<vmem>>[vector<16xi32>, vector<16xi32>], vector<16xf32>,
      tpu.vector_store_idx %arg7[%scan3A_341#1, %add3A_302], %scan3A_341#2 : memref<64x128xf32, #tpu.memory_space<vmem>>[vector<16xi32>, vector<16xi32>], vector<16xf32>,
      tpu.vector_store_idx %arg7[%scan3A_341#1, %add3A_305], %scan3A_341#3 : memref<64x128xf32, #tpu.memory_space<vmem>>[vector<16xi32>, vector<16xi32>], vector<16xf32>,
      tpu.vector_store_idx %arg7[%scan3A_341#1, %add3A_308], %scan3A_341#4 : memref<64x128xf32, #tpu.memory_space<vmem>>[vector<16xi32>, vector<16xi32>], vector<16xf32>,
      tpu.vector_store_idx %arg7[%scan3A_341#1, %add3A_311], %scan3A_341#5 : memref<64x128xf32, #tpu.memory_space<vmem>>[vector<16xi32>, vector<16xi32>], vector<16xf32>,
      tpu.vector_store_idx %arg7[%scan3A_341#1, %add3A_314], %scan3A_341#6 : memref<64x128xf32, #tpu.memory_space<vmem>>[vector<16xi32>, vector<16xi32>], vector<16xf32>,
      tpu.vector_store_idx %arg7[%scan3A_341#1, %add3A_317], %scan3A_341#7 : memref<64x128xf32, #tpu.memory_space<vmem>>[vector<16xi32>, vector<16xi32>], vector<16xf32>,
      tpu.vector_store_idx %arg7[%scan3A_341#1, %add3A_320], %scan3A_341#8 : memref<64x128xf32, #tpu.memory_space<vmem>>[vector<16xi32>, vector<16xi32>], vector<16xf32>,
      tpu.vector_store_idx %arg7[%scan3A_341#1, %add3A_323], %scan3A_341#9 : memref<64x128xf32, #tpu.memory_space<vmem>>[vector<16xi32>, vector<16xi32>], vector<16xf32>,
      %add3A_352 = arith.constant 1 : i32
      %add3A_353 = vector.broadcast %add3A_352 : i32 to vector<16xi32>
      %add3A_354 = arith.addi %scan3A_341#0, %add3A_353 : vector<16xi32>
      %scan3A_355 = arith.constant 61 : i32
      %scan3A_356 = arith.addi %scan3A_337, %scan3A_355 : i32
      %gather3A_357 = tpu.vector_load_idx %arg5[%add3A_302, %add3A_354] : memref<128x64xf32, #tpu.memory_space<vmem>>[vector<16xi32>, vector<16xi32>], vector<16xf32>,
      %gather3A_358 = tpu.vector_load_idx %arg5[%add3A_305, %add3A_354] : memref<128x64xf32, #tpu.memory_space<vmem>>[vector<16xi32>, vector<16xi32>], vector<16xf32>,
      %gather3A_359 = tpu.vector_load_idx %arg5[%add3A_308, %add3A_354] : memref<128x64xf32, #tpu.memory_space<vmem>>[vector<16xi32>, vector<16xi32>], vector<16xf32>,
      %gather3A_360 = tpu.vector_load_idx %arg5[%add3A_311, %add3A_354] : memref<128x64xf32, #tpu.memory_space<vmem>>[vector<16xi32>, vector<16xi32>], vector<16xf32>,
      %gather3A_361 = tpu.vector_load_idx %arg5[%add3A_314, %add3A_354] : memref<128x64xf32, #tpu.memory_space<vmem>>[vector<16xi32>, vector<16xi32>], vector<16xf32>,
      %gather3A_362 = tpu.vector_load_idx %arg5[%add3A_317, %add3A_354] : memref<128x64xf32, #tpu.memory_space<vmem>>[vector<16xi32>, vector<16xi32>], vector<16xf32>,
      %gather3A_363 = tpu.vector_load_idx %arg5[%add3A_320, %add3A_354] : memref<128x64xf32, #tpu.memory_space<vmem>>[vector<16xi32>, vector<16xi32>], vector<16xf32>,
      %gather3A_364 = tpu.vector_load_idx %arg5[%add3A_323, %add3A_354] : memref<128x64xf32, #tpu.memory_space<vmem>>[vector<16xi32>, vector<16xi32>], vector<16xf32>,
      tpu.vector_store_idx %arg7[%scan3A_341#0, %add3A_302], %gather3A_344 : memref<64x128xf32, #tpu.memory_space<vmem>>[vector<16xi32>, vector<16xi32>], vector<16xf32>,
      tpu.vector_store_idx %arg7[%scan3A_341#0, %add3A_305], %gather3A_345 : memref<64x128xf32, #tpu.memory_space<vmem>>[vector<16xi32>, vector<16xi32>], vector<16xf32>,
      tpu.vector_store_idx %arg7[%scan3A_341#0, %add3A_308], %gather3A_346 : memref<64x128xf32, #tpu.memory_space<vmem>>[vector<16xi32>, vector<16xi32>], vector<16xf32>,
      tpu.vector_store_idx %arg7[%scan3A_341#0, %add3A_311], %gather3A_347 : memref<64x128xf32, #tpu.memory_space<vmem>>[vector<16xi32>, vector<16xi32>], vector<16xf32>,
      tpu.vector_store_idx %arg7[%scan3A_341#0, %add3A_314], %gather3A_348 : memref<64x128xf32, #tpu.memory_space<vmem>>[vector<16xi32>, vector<16xi32>], vector<16xf32>,
      tpu.vector_store_idx %arg7[%scan3A_341#0, %add3A_317], %gather3A_349 : memref<64x128xf32, #tpu.memory_space<vmem>>[vector<16xi32>, vector<16xi32>], vector<16xf32>,
      tpu.vector_store_idx %arg7[%scan3A_341#0, %add3A_320], %gather3A_350 : memref<64x128xf32, #tpu.memory_space<vmem>>[vector<16xi32>, vector<16xi32>], vector<16xf32>,
      tpu.vector_store_idx %arg7[%scan3A_341#0, %add3A_323], %gather3A_351 : memref<64x128xf32, #tpu.memory_space<vmem>>[vector<16xi32>, vector<16xi32>], vector<16xf32>,
      %add3A_365 = arith.constant 1 : i32
      %add3A_366 = vector.broadcast %add3A_365 : i32 to vector<16xi32>
      %add3A_367 = arith.addi %add3A_354, %add3A_366 : vector<16xi32>
      %scan3A_368 = arith.constant 62 : i32
      %scan3A_369 = arith.addi %scan3A_337, %scan3A_368 : i32
      %gather3A_370 = tpu.vector_load_idx %arg5[%add3A_302, %add3A_367] : memref<128x64xf32, #tpu.memory_space<vmem>>[vector<16xi32>, vector<16xi32>], vector<16xf32>,
      %gather3A_371 = tpu.vector_load_idx %arg5[%add3A_305, %add3A_367] : memref<128x64xf32, #tpu.memory_space<vmem>>[vector<16xi32>, vector<16xi32>], vector<16xf32>,
      %gather3A_372 = tpu.vector_load_idx %arg5[%add3A_308, %add3A_367] : memref<128x64xf32, #tpu.memory_space<vmem>>[vector<16xi32>, vector<16xi32>], vector<16xf32>,
      %gather3A_373 = tpu.vector_load_idx %arg5[%add3A_311, %add3A_367] : memref<128x64xf32, #tpu.memory_space<vmem>>[vector<16xi32>, vector<16xi32>], vector<16xf32>,
      %gather3A_374 = tpu.vector_load_idx %arg5[%add3A_314, %add3A_367] : memref<128x64xf32, #tpu.memory_space<vmem>>[vector<16xi32>, vector<16xi32>], vector<16xf32>,
      %gather3A_375 = tpu.vector_load_idx %arg5[%add3A_317, %add3A_367] : memref<128x64xf32, #tpu.memory_space<vmem>>[vector<16xi32>, vector<16xi32>], vector<16xf32>,
      %gather3A_376 = tpu.vector_load_idx %arg5[%add3A_320, %add3A_367] : memref<128x64xf32, #tpu.memory_space<vmem>>[vector<16xi32>, vector<16xi32>], vector<16xf32>,
      %gather3A_377 = tpu.vector_load_idx %arg5[%add3A_323, %add3A_367] : memref<128x64xf32, #tpu.memory_space<vmem>>[vector<16xi32>, vector<16xi32>], vector<16xf32>,
      tpu.vector_store_idx %arg7[%add3A_354, %add3A_302], %gather3A_357 : memref<64x128xf32, #tpu.memory_space<vmem>>[vector<16xi32>, vector<16xi32>], vector<16xf32>,
      tpu.vector_store_idx %arg7[%add3A_354, %add3A_305], %gather3A_358 : memref<64x128xf32, #tpu.memory_space<vmem>>[vector<16xi32>, vector<16xi32>], vector<16xf32>,
      tpu.vector_store_idx %arg7[%add3A_354, %add3A_308], %gather3A_359 : memref<64x128xf32, #tpu.memory_space<vmem>>[vector<16xi32>, vector<16xi32>], vector<16xf32>,
      tpu.vector_store_idx %arg7[%add3A_354, %add3A_311], %gather3A_360 : memref<64x128xf32, #tpu.memory_space<vmem>>[vector<16xi32>, vector<16xi32>], vector<16xf32>,
      tpu.vector_store_idx %arg7[%add3A_354, %add3A_314], %gather3A_361 : memref<64x128xf32, #tpu.memory_space<vmem>>[vector<16xi32>, vector<16xi32>], vector<16xf32>,
      tpu.vector_store_idx %arg7[%add3A_354, %add3A_317], %gather3A_362 : memref<64x128xf32, #tpu.memory_space<vmem>>[vector<16xi32>, vector<16xi32>], vector<16xf32>,
      tpu.vector_store_idx %arg7[%add3A_354, %add3A_320], %gather3A_363 : memref<64x128xf32, #tpu.memory_space<vmem>>[vector<16xi32>, vector<16xi32>], vector<16xf32>,
      tpu.vector_store_idx %arg7[%add3A_354, %add3A_323], %gather3A_364 : memref<64x128xf32, #tpu.memory_space<vmem>>[vector<16xi32>, vector<16xi32>], vector<16xf32>,
      %add3A_378 = arith.constant 1 : i32
      %add3A_379 = vector.broadcast %add3A_378 : i32 to vector<16xi32>
      %add3A_380 = arith.addi %add3A_367, %add3A_379 : vector<16xi32>
      %scan3A_381 = arith.constant 63 : i32
      tpu.vector_store_idx %arg7[%add3A_367, %add3A_302], %gather3A_370 : memref<64x128xf32, #tpu.memory_space<vmem>>[vector<16xi32>, vector<16xi32>], vector<16xf32>,
      tpu.vector_store_idx %arg7[%add3A_367, %add3A_305], %gather3A_371 : memref<64x128xf32, #tpu.memory_space<vmem>>[vector<16xi32>, vector<16xi32>], vector<16xf32>,
      tpu.vector_store_idx %arg7[%add3A_367, %add3A_308], %gather3A_372 : memref<64x128xf32, #tpu.memory_space<vmem>>[vector<16xi32>, vector<16xi32>], vector<16xf32>,
      tpu.vector_store_idx %arg7[%add3A_367, %add3A_311], %gather3A_373 : memref<64x128xf32, #tpu.memory_space<vmem>>[vector<16xi32>, vector<16xi32>], vector<16xf32>,
      tpu.vector_store_idx %arg7[%add3A_367, %add3A_314], %gather3A_374 : memref<64x128xf32, #tpu.memory_space<vmem>>[vector<16xi32>, vector<16xi32>], vector<16xf32>,
      tpu.vector_store_idx %arg7[%add3A_367, %add3A_317], %gather3A_375 : memref<64x128xf32, #tpu.memory_space<vmem>>[vector<16xi32>, vector<16xi32>], vector<16xf32>,
      tpu.vector_store_idx %arg7[%add3A_367, %add3A_320], %gather3A_376 : memref<64x128xf32, #tpu.memory_space<vmem>>[vector<16xi32>, vector<16xi32>], vector<16xf32>,
      tpu.vector_store_idx %arg7[%add3A_367, %add3A_323], %gather3A_377 : memref<64x128xf32, #tpu.memory_space<vmem>>[vector<16xi32>, vector<16xi32>], vector<16xf32>,
      %jit3A_382 = arith.constant 4 : i32
      %div3A_383 = arith.divsi %add3A_241, %jit3A_382 : i32
      %sign3A_384 = arith.constant 0 : i32
      %sign3A_385 = arith.cmpi sgt, %add3A_241, %sign3A_384 : i32
      %sign3A_386 = arith.extui %sign3A_385 : i1 to i32
      %sign3A_387 = arith.constant 0 : i32
      %sign3A_388 = arith.cmpi slt, %add3A_241, %sign3A_387 : i32
      %sign3A_389 = arith.extui %sign3A_388 : i1 to i32
      %sign3A_390 = arith.subi %sign3A_386, %sign3A_389 : i32
      %sign3A_391 = arith.constant 0 : i32
      %sign3A_392 = arith.cmpi sgt, %jit3A_382, %sign3A_391 : i32
      %sign3A_393 = arith.extui %sign3A_392 : i1 to i32
      %sign3A_394 = arith.constant 0 : i32
      %sign3A_395 = arith.cmpi slt, %jit3A_382, %sign3A_394 : i32
      %sign3A_396 = arith.extui %sign3A_395 : i1 to i32
      %sign3A_397 = arith.subi %sign3A_393, %sign3A_396 : i32
      %ne3A_398 = arith.cmpi ne, %sign3A_390, %sign3A_397 : i32
      %rem3A_399 = arith.remsi %add3A_241, %jit3A_382 : i32
      %ne3A_400 = arith.constant 0 : i32
      %ne3A_401 = arith.cmpi ne, %rem3A_399, %ne3A_400 : i32
      %and3A_402 = arith.andi %ne3A_398, %ne3A_401 : i1
      %sub3A_403 = arith.constant 1 : i32
      %sub3A_404 = arith.subi %div3A_383, %sub3A_403 : i32
      %select_n3A_405 = arith.select %and3A_402, %sub3A_404, %div3A_383 : i32
      %jit3A_406 = arith.constant 4 : i32
      %eq3A_407 = arith.constant 0 : i32
      %eq3A_408 = arith.cmpi eq, %jit3A_406, %eq3A_407 : i32
      %jit3A_409 = arith.constant 1 : i32
      %select_n3A_410 = arith.select %eq3A_408, %jit3A_409, %jit3A_406 : i32
      %rem3A_411 = arith.remsi %add3A_241, %select_n3A_410 : i32
      %ne3A_412 = arith.constant 0 : i32
      %ne3A_413 = arith.cmpi ne, %rem3A_411, %ne3A_412 : i32
      %lt3A_414 = arith.constant 0 : i32
      %lt3A_415 = arith.cmpi slt, %rem3A_411, %lt3A_414 : i32
      %lt3A_416 = arith.constant 0 : i32
      %lt3A_417 = arith.cmpi slt, %select_n3A_410, %lt3A_416 : i32
      %ne3A_418 = arith.xori %lt3A_415, %lt3A_417 : i1
      %and3A_419 = arith.andi %ne3A_418, %ne3A_413 : i1
      %add3A_420 = arith.addi %rem3A_411, %select_n3A_410 : i32
      %select_n3A_421 = arith.select %and3A_419, %add3A_420, %rem3A_411 : i32
      %mul3A_422 = arith.constant 512 : i32
      %mul3A_423 = arith.muli %add3A, %mul3A_422 : i32
      %mul3A_424 = arith.constant 128 : i32
      %mul3A_425 = arith.muli %select_n3A_421, %mul3A_424 : i32
      %add3A_426 = arith.addi %mul3A_423, %mul3A_425 : i32
      %multiple_of3A_427 = tpu.assume_multiple %add3A_426, 128 : i32
      %dma_start3A_428 = arith.constant 0 : i32
      %dma_start3A_429 = tpu.memref_slice %arg3[%select_n3A_405, %dma_start3A_428, %multiple_of3A_427] : memref<26x64x16384xf32, #tpu.memory_space<hbm>> -> memref<1x64x128xf32, #tpu.memory_space<hbm>>
      %dma_start3A_430 = tpu.memref_squeeze %dma_start3A_429 : memref<1x64x128xf32, #tpu.memory_space<hbm>> -> memref<64x128xf32, #tpu.memory_space<hbm>>
      %dma_start3A_431 = arith.constant 0 : i32
      %dma_start3A_432 = tpu.memref_slice %arg3[%select_n3A_405, %dma_start3A_431, %multiple_of3A_427] : memref<26x64x16384xf32, #tpu.memory_space<hbm>> -> memref<1x64x128xf32, #tpu.memory_space<hbm>>
      %dma_start3A_433 = tpu.memref_squeeze %dma_start3A_432 : memref<1x64x128xf32, #tpu.memory_space<hbm>> -> memref<64x128xf32, #tpu.memory_space<hbm>>
      tpu.enqueue_dma source(%arg7 : memref<64x128xf32, #tpu.memory_space<vmem>>) target(%dma_start3A_433 : memref<64x128xf32, #tpu.memory_space<hbm>>) target_semaphore(%arg11 : memref<!tpu.dma_semaphore, #tpu.memory_space<semaphore_mem>>)
      %add3A_434 = arith.constant 2 : i32
      %add3A_435 = arith.addi %add3A_241, %add3A_434 : i32
      %lt3A_436 = arith.constant 104 : i32
      %lt3A_437 = arith.cmpi slt, %add3A_435, %lt3A_436 : i32
      %convert_element_type3A_438 = arith.extui %lt3A_437 : i1 to i32
      %cond3A_439 = arith.constant 0 : i32
      %cond3A_440 = arith.cmpi ne, %convert_element_type3A_438, %cond3A_439 : i32
      scf.if %cond3A_440 {
        %add3A_441 = arith.constant 2 : i32
        %add3A_442 = arith.addi %add3A_241, %add3A_441 : i32
        %jit3A_443 = arith.constant 4 : i32
        %div3A_444 = arith.divsi %add3A_442, %jit3A_443 : i32
        %sign3A_445 = arith.constant 0 : i32
        %sign3A_446 = arith.cmpi sgt, %add3A_442, %sign3A_445 : i32
        %sign3A_447 = arith.extui %sign3A_446 : i1 to i32
        %sign3A_448 = arith.constant 0 : i32
        %sign3A_449 = arith.cmpi slt, %add3A_442, %sign3A_448 : i32
        %sign3A_450 = arith.extui %sign3A_449 : i1 to i32
        %sign3A_451 = arith.subi %sign3A_447, %sign3A_450 : i32
        %sign3A_452 = arith.constant 0 : i32
        %sign3A_453 = arith.cmpi sgt, %jit3A_443, %sign3A_452 : i32
        %sign3A_454 = arith.extui %sign3A_453 : i1 to i32
        %sign3A_455 = arith.constant 0 : i32
        %sign3A_456 = arith.cmpi slt, %jit3A_443, %sign3A_455 : i32
        %sign3A_457 = arith.extui %sign3A_456 : i1 to i32
        %sign3A_458 = arith.subi %sign3A_454, %sign3A_457 : i32
        %ne3A_459 = arith.cmpi ne, %sign3A_451, %sign3A_458 : i32
        %rem3A_460 = arith.remsi %add3A_442, %jit3A_443 : i32
        %ne3A_461 = arith.constant 0 : i32
        %ne3A_462 = arith.cmpi ne, %rem3A_460, %ne3A_461 : i32
        %and3A_463 = arith.andi %ne3A_459, %ne3A_462 : i1
        %sub3A_464 = arith.constant 1 : i32
        %sub3A_465 = arith.subi %div3A_444, %sub3A_464 : i32
        %select_n3A_466 = arith.select %and3A_463, %sub3A_465, %div3A_444 : i32
        %jit3A_467 = arith.constant 4 : i32
        %eq3A_468 = arith.constant 0 : i32
        %eq3A_469 = arith.cmpi eq, %jit3A_467, %eq3A_468 : i32
        %jit3A_470 = arith.constant 1 : i32
        %select_n3A_471 = arith.select %eq3A_469, %jit3A_470, %jit3A_467 : i32
        %rem3A_472 = arith.remsi %add3A_442, %select_n3A_471 : i32
        %ne3A_473 = arith.constant 0 : i32
        %ne3A_474 = arith.cmpi ne, %rem3A_472, %ne3A_473 : i32
        %lt3A_475 = arith.constant 0 : i32
        %lt3A_476 = arith.cmpi slt, %rem3A_472, %lt3A_475 : i32
        %lt3A_477 = arith.constant 0 : i32
        %lt3A_478 = arith.cmpi slt, %select_n3A_471, %lt3A_477 : i32
        %ne3A_479 = arith.xori %lt3A_476, %lt3A_478 : i1
        %and3A_480 = arith.andi %ne3A_479, %ne3A_474 : i1
        %add3A_481 = arith.addi %rem3A_472, %select_n3A_471 : i32
        %select_n3A_482 = arith.select %and3A_480, %add3A_481, %rem3A_472 : i32
        %mul3A_483 = arith.constant 16384 : i32
        %mul3A_484 = arith.muli %select_n3A_466, %mul3A_483 : i32
        %mul3A_485 = arith.constant 512 : i32
        %mul3A_486 = arith.muli %add3A, %mul3A_485 : i32
        %add3A_487 = arith.addi %mul3A_484, %mul3A_486 : i32
        %mul3A_488 = arith.constant 128 : i32
        %mul3A_489 = arith.muli %select_n3A_482, %mul3A_488 : i32
        %add3A_490 = arith.addi %add3A_487, %mul3A_489 : i32
        %multiple_of3A_491 = tpu.assume_multiple %add3A_490, 128 : i32
        %dma_start3A_492 = arith.constant 0 : i32
        %dma_start3A_493 = tpu.memref_slice %arg2[%multiple_of3A_491, %dma_start3A_492] : memref<425984x64xf32, #tpu.memory_space<hbm>> -> memref<128x64xf32, #tpu.memory_space<hbm>>
        %dma_start3A_494 = arith.constant 0 : i32
        %dma_start3A_495 = tpu.memref_slice %arg2[%multiple_of3A_491, %dma_start3A_494] : memref<425984x64xf32, #tpu.memory_space<hbm>> -> memref<128x64xf32, #tpu.memory_space<hbm>>
        tpu.enqueue_dma source(%dma_start3A_495 : memref<128x64xf32, #tpu.memory_space<hbm>>) target(%arg5 : memref<128x64xf32, #tpu.memory_space<vmem>>) target_semaphore(%arg9 : memref<!tpu.dma_semaphore, #tpu.memory_space<semaphore_mem>>)
      } else {
      }
    }
    %scan3A_25 = arith.constant 52 : i32
    %mul3A_26 = arith.constant 512 : i32
    %mul3A_27 = arith.muli %add3A, %mul3A_26 : i32
    %add3A_28 = arith.constant 256 : i32
    %add3A_29 = arith.addi %mul3A_27, %add3A_28 : i32
    %multiple_of3A_30 = tpu.assume_multiple %add3A_29, 128 : i32
    %dma_wait3A = arith.constant 25 : i32
    %dma_wait3A_31 = arith.constant 0 : i32
    %dma_wait3A_32 = tpu.memref_slice %arg3[%dma_wait3A, %dma_wait3A_31, %multiple_of3A_30] : memref<26x64x16384xf32, #tpu.memory_space<hbm>> -> memref<1x64x128xf32, #tpu.memory_space<hbm>>
    %dma_wait3A_33 = tpu.memref_squeeze %dma_wait3A_32 : memref<1x64x128xf32, #tpu.memory_space<hbm>> -> memref<64x128xf32, #tpu.memory_space<hbm>>
    %dma_wait3A_34 = arith.constant 0 : i32
    %dma_wait3A_35 = tpu.memref_slice %arg3[%dma_wait3A, %dma_wait3A_34, %multiple_of3A_30] : memref<26x64x16384xf32, #tpu.memory_space<hbm>> -> memref<1x64x128xf32, #tpu.memory_space<hbm>>
    %dma_wait3A_36 = tpu.memref_squeeze %dma_wait3A_35 : memref<1x64x128xf32, #tpu.memory_space<hbm>> -> memref<64x128xf32, #tpu.memory_space<hbm>>
    tpu.wait_dma2 semaphore(%arg10 : memref<!tpu.dma_semaphore, #tpu.memory_space<semaphore_mem>>) src(%arg6 : memref<64x128xf32, #tpu.memory_space<vmem>>) dst(%dma_wait3A_36 : memref<64x128xf32, #tpu.memory_space<hbm>>)
    %mul3A_37 = arith.constant 512 : i32
    %mul3A_38 = arith.muli %add3A, %mul3A_37 : i32
    %add3A_39 = arith.constant 384 : i32
    %add3A_40 = arith.addi %mul3A_38, %add3A_39 : i32
    %multiple_of3A_41 = tpu.assume_multiple %add3A_40, 128 : i32
    %dma_wait3A_42 = arith.constant 25 : i32
    %dma_wait3A_43 = arith.constant 0 : i32
    %dma_wait3A_44 = tpu.memref_slice %arg3[%dma_wait3A_42, %dma_wait3A_43, %multiple_of3A_41] : memref<26x64x16384xf32, #tpu.memory_space<hbm>> -> memref<1x64x128xf32, #tpu.memory_space<hbm>>
    %dma_wait3A_45 = tpu.memref_squeeze %dma_wait3A_44 : memref<1x64x128xf32, #tpu.memory_space<hbm>> -> memref<64x128xf32, #tpu.memory_space<hbm>>
    %dma_wait3A_46 = arith.constant 0 : i32
    %dma_wait3A_47 = tpu.memref_slice %arg3[%dma_wait3A_42, %dma_wait3A_46, %multiple_of3A_41] : memref<26x64x16384xf32, #tpu.memory_space<hbm>> -> memref<1x64x128xf32, #tpu.memory_space<hbm>>
    %dma_wait3A_48 = tpu.memref_squeeze %dma_wait3A_47 : memref<1x64x128xf32, #tpu.memory_space<hbm>> -> memref<64x128xf32, #tpu.memory_space<hbm>>
    tpu.wait_dma2 semaphore(%arg11 : memref<!tpu.dma_semaphore, #tpu.memory_space<semaphore_mem>>) src(%arg7 : memref<64x128xf32, #tpu.memory_space<vmem>>) dst(%dma_wait3A_48 : memref<64x128xf32, #tpu.memory_space<hbm>>)
    return
  }
}

</mosaic_0001>

<sc_bundles>
// kernel: _embedding_layout.3.cloned.1.call-start
scs
__scs_entry_jumppad:
0x0: {  	(pc) =	sbr.rel $0x88, $3  }
0x1: {  	(tag) =	ssettag $0x0;
	lr =	simm.s32 $0x1  }
0x2: {  	[smem:$0x3FA0] =	sst lr;
	_ =	strace $0xD0000000  }
0x3: {  	_ = 	snop  }
0x4: {  	_ = 	snop  }
0x5: {  	_ = 	snop  }
0x6: {  	_ = 	snop  }
0x7: {  	_ = 	snop  }
__scs_overlays_trampoline_lowered:
0x8: {  	[smem:$0x3FAF] =	sst s0  }
0x9: {  	[smem:$0x3FB0] =	sst s1  }
0xa: {  	[smem:$0x3FB1] =	sst s2  }
0xb: {  	[smem:$0x3FB2] =	sst s3  }
0xc: {  	[smem:$0x3FB3] =	sst s4  }
0xd: {  	[smem:$0x3FB4] =	sst s5  }
0xe: {  	[smem:$0x3FB5] =	sst s6  }
0xf: {  	[smem:$0x3FB6] =	sst s7  }
0x10: {  	[smem:$0x3FB7] =	sst s8  }
0x11: {  	[smem:$0x3FB8] =	sst s9;
	s0 =	simm.s32 @!p0 $0x0  }
0x12: {  	s1 =	sld [smem:$0x3F9E];
	s0 =	simm.s32 @p0 $0x1  }
0x13: {  	[smem:$0x3FB9] =	sst s0;
	s0 =	simm.s32 @!p1 $0x0  }
0x14: {  	s2 =	sld [smem:$0x3F9D];
	s0 =	simm.s32 @p1 $0x1  }
0x15: {  	[smem:$0x3FBA] =	sst s0;
	s0 =	simm.s32 @!p2 $0x0  }
0x16: {  	s3 =	sld [smem:$0x3FDB];
	s0 =	simm.s32 @p2 $0x1  }
0x17: {  	s4 =	simm.s32 $0x1BF5;
	[smem:$0x3FBC] =	sst s0  }
0x18: {  	s0 =	sld [smem:$0x3F9F];
	_ =	swait.ge [sflag:s4], $0x0  }
0x19: {  	s7 =	sld [smem:$0x3FA0]  }
0x1a: {  	s8 =	sadd.s32 $0xFFFFE003, lr  }
0x1b: {  	s9 =	sadd.s32 $0xFFFFFEF7, lr;
	s5 =	simm.s32 $0xFFFFFFFF;
	p2 =	slt.u32 s8, $0xFFFFF086  }
0x1c: {  	p1 =	slt.u32 s9, $0xF7A;
	s5 =	simm.s32 @!p2 $0x0  }
0x1d: {  	s5 =	simm.s32 @p1 $0x1;
	p0 =	seq.s32 s7, s2  }
0x1e: {  	s7 =	smul.u32 @!p0 $0xF7A, s2;
	p2 =	seq.s32 @!p0 s5, $0x0  }
0x1f: {  	s9 =	smul.u32 $0xF7A, s1;
	s8 =	simm.s32 @!p0 $0x1BF5;
	p2 =	por !p2, p0  }
0x20: {  	[sflag:s8] =	ssyncset.s32 @!p0 $0xFFFFF086;
	s6 =	sadd.s32 @!p0 s3, s7;
	s7 =	simm.s32 @!p0 $0x108  }
0x21: {  	s3 =	sadd.s32 s3, s9;
	s6 =	sadd.s32 @!p0 $0x88, s6;
	s7 =	simm.s32 @p2 $0x1082  }
0x22: {  	[simem:s7], [sflag:s8] =	dma.local @!p0 [hbm:s6], $0xF7A  }
0x23: {  	s9 =	sor.u32 $0xD0000000, s2;
	s6 =	simm.s32 $0x108;
	_ =	swait.ge @!p0 [sflag:s8], $0x0  }
0x24: {  	s3 =	sadd.s32 $0x88, s3;
	s6 =	simm.s32 @!p1 $0x1082;
	[sflag:s4] =	ssyncset.s32 $0xFFFFF086  }
0x25: {  	[simem:s6], [sflag:s4] =	dma.local [hbm:s3], $0xF7A  }
0x26: {  	[smem:$0x3FA0] =	sst s1;
	(tag) =	ssettag s2;
	_ =	strace s9  }
0x27: {  	s1 =	sld [smem:$0x3FB0]  }
0x28: {  	s2 =	sld [smem:$0x3FB1]  }
0x29: {  	s4 =	sld [smem:$0x3FB3]  }
0x2a: {  	p0 =	seq.s32 s5, $0x0;
	s5 =	sld [smem:$0x3FB4]  }
0x2b: {  	s6 =	sld [smem:$0x3FB5]  }
0x2c: {  	s7 =	sld [smem:$0x3FB6]  }
0x2d: {  	s3 =	simm.s32 $0x108;
	s8 =	sld [smem:$0x3FB7]  }
0x2e: {  	s3 =	simm.s32 @!p0 $0x1082;
	s9 =	sld [smem:$0x3FB8]  }
0x2f: {  	lr =	sadd.s32 s0, s3;
	s0 =	sld [smem:$0x3FAF]  }
0x30: {  	s3 =	sld [smem:$0x3FB2]  }
0x31: {  	[smem:$0x3FBB] =	sst s10  }
0x32: {  	s10 =	sld [smem:$0x3FB9];
	_ =	sdelay $0x3  }
0x33: {  	p0 =	seq.s32 s10, $0x1;
	s10 =	sld [smem:$0x3FBB];
	_ =	sdelay $0x3  }
0x34: {  	[smem:$0x3FBB] =	sst s10  }
0x35: {  	s10 =	sld [smem:$0x3FBA];
	_ =	sdelay $0x3  }
0x36: {  	p1 =	seq.s32 s10, $0x1;
	s10 =	sld [smem:$0x3FBB];
	_ =	sdelay $0x3  }
0x37: {  	[smem:$0x3FBB] =	sst s10  }
0x38: {  	s10 =	sld [smem:$0x3FBC]  }
0x39: {  	_ = 	snop;
	(pc) =	sbr.ind lr, $3  }
0x3a: {  	_ = 	snop  }
0x3b: {  	_ = 	snop  }
0x3c: {  	p2 =	seq.s32 s10, $0x1;
	s10 =	sld [smem:$0x3FBB]  }
0x3d: {  	_ =	shalt  }
0x3e: {  	_ =	shalt  }
0x3f: {  	_ =	shalt  }
0x40: {  	_ =	shalt  }
0x41: {  	_ =	shalt  }
0x42: {  	_ =	shalt  }
0x43: {  	_ =	shalt  }
0x44: {  	_ =	shalt  }
0x45: {  	_ =	shalt  }
0x46: {  	_ =	shalt  }
0x47: {  	_ =	shalt  }
0x48: {  	_ =	shalt  }
0x49: {  	_ =	shalt  }
0x4a: {  	_ =	shalt  }
0x4b: {  	_ =	shalt  }
0x4c: {  	_ =	shalt  }
0x4d: {  	_ =	shalt  }
0x4e: {  	_ =	shalt  }
0x4f: {  	_ =	shalt  }
0x50: {  	_ =	shalt  }
0x51: {  	_ =	shalt  }
0x52: {  	_ =	shalt  }
0x53: {  	_ =	shalt  }
0x54: {  	_ =	shalt  }
0x55: {  	_ =	shalt  }
0x56: {  	_ =	shalt  }
0x57: {  	_ =	shalt  }
0x58: {  	_ =	shalt  }
0x59: {  	_ =	shalt  }
0x5a: {  	_ =	shalt  }
0x5b: {  	_ =	shalt  }
0x5c: {  	_ =	shalt  }
0x5d: {  	_ =	shalt  }
0x5e: {  	_ =	shalt  }
0x5f: {  	_ =	shalt  }
0x60: {  	_ =	shalt  }
0x61: {  	_ =	shalt  }
0x62: {  	_ =	shalt  }
0x63: {  	_ =	shalt  }
0x64: {  	_ =	shalt  }
0x65: {  	_ =	shalt  }
0x66: {  	_ =	shalt  }
0x67: {  	_ =	shalt  }
0x68: {  	_ =	shalt  }
0x69: {  	_ =	shalt  }
0x6a: {  	_ =	shalt  }
0x6b: {  	_ =	shalt  }
0x6c: {  	_ =	shalt  }
0x6d: {  	_ =	shalt  }
0x6e: {  	_ =	shalt  }
0x6f: {  	_ =	shalt  }
0x70: {  	_ =	shalt  }
0x71: {  	_ =	shalt  }
0x72: {  	_ =	shalt  }
0x73: {  	_ =	shalt  }
0x74: {  	_ =	shalt  }
0x75: {  	_ =	shalt  }
0x76: {  	_ =	shalt  }
0x77: {  	_ =	shalt  }
0x78: {  	_ =	shalt  }
0x79: {  	_ =	shalt  }
0x7a: {  	_ =	shalt  }
0x7b: {  	_ =	shalt  }
0x7c: {  	_ =	shalt  }
0x7d: {  	_ =	shalt  }
0x7e: {  	_ =	shalt  }
0x7f: {  	_ =	shalt  }
0x80: {  	_ =	shalt  }
0x81: {  	_ =	shalt  }
0x82: {  	_ =	shalt  }
0x83: {  	_ =	shalt  }
0x84: {  	_ =	shalt  }
0x85: {  	_ =	shalt  }
0x86: {  	_ =	shalt  }
0x87: {  	_ =	shalt  }
.Lfunc_end0:
.L_simem_size_0:
called_computation_lowered:
.L_overlay_start_0:
0x88: {  	s2 =	sld [smem:$0x3FD9]  }
0x89: {  	s3 =	sld [smem:$0x3FFE];
	_ =	sdelay $0x1  }
0x8a: {  	s1 =	srdreg.scid  }
0x8b: {  	s0 =	sand.u32 $0x1, s1  }
0x8c: {  	s17 =	sshll.u32 s0, $0xA;
	s2 =	sadd.s32 s3, s2  }
0x8d: {  	s2 =	sadd.s32 s2, s17  }
0x8e: {  	[smem:$0x3FC7] =	sst s2  }
0x8f: {  	_ = 	snop  }
0x90: {  	s2 =	sld [smem:$0x3FD0];
	(tm) =	ssettm $0x1  }
0x91: {  	s18 =	sld [smem:$0x3FFB];
	_ =	sdelay $0x3  }
0x92: {  	_ =	strace s18  }
0x93: {  	s3 =	sld [smem:$0x3FFC];
	_ =	sdelay $0x3  }
0x94: {  	_ =	strace s3  }
0x95: {  	s3 =	sld [smem:$0x3FFD];
	_ =	sdelay $0x3  }
0x96: {  	_ =	strace s3  }
0x97: {  	_ =	strace $0x8FFFFFFF  }
0x98: {  	s19 =	sld [smem:$0x3FDB];
	_ =	sdelay $0x1  }
0x99: {  	s4 =	simm.s32 $_scs_section_size  }
0x9a: {  	s5 =	simm.s32 $_size__tile_overlayer_lowered;
	s6 =	simm.s32 $_tile_overlayer_lowered  }
0x9b: {  	s22 =	simm.s32 $0x1BFF;
	s21 =	sshll.u32 s6, $0x1;
	s3 =	sadd.s32 s4, s19  }
0x9c: {  	s7 =	simm.s32 $0x0;
	s20 =	sshll.u32 s5, $0x1;
	s5 =	sadd.s32 s21, s3  }
0x9d: {  	[timem:s7], [sflag:s22] =	dma.local [hbm:s5], s20  }
0x9e: {  	_ =	swait.ge [sflag:s22], s20  }
0x9f: {  	s4 =	ssub.s32 $0x0, s20;
	[sflag:s22] =	ssyncset.done $0x0  }
0xa0: {  	[sflag:s22] =	ssyncadd.s32 s4;
	_ =	sdelay $0x1  }
0xa1: {  	s23 =	simm.s32 $0x1B8B  }
0xa2: {  	_ =	swait.ge [sflag:s23], $0x1  }
0xa3: {  	[sflag:s23] =	ssyncset.done $0x0  }
0xa4: {  	s25 =	simm.s32 $0x1B8E;
	s24 =	sld [smem:$0x3FFE];
	[sflag:s23] =	ssyncadd.s32 $0xFFFFFFFF  }
0xa5: {  	s26 =	simm.s32 $execute0_lowered;
	[smem:$0x3FD2] =	sst s25  }
0xa6: {  	s5 =	sshll.u32 s26, $0x1;
	_ =	strace $0x80000046;
	[dreg:$0x1] =	wrdreg $0xFFFFFFFF  }
0xa7: {  	s28 =	simm.s32 $_size_execute0_lowered;
	s3 =	sadd.s32 s3, s5;
	[dreg:$0x0] =	wrdreg $0x0  }
0xa8: {  	s5 =	sshll.u32 s28, $0x1;
	[dreg:$0x2] =	wrdreg s3  }
0xa9: {  	[dreg:$0x3] =	wrdreg s5  }
0xaa: {  	[dreg:$0x4] =	wrdreg $0xC0  }
0xab: {  	_ =	task [dreg:s7], $0x5FFFF  }
0xac: {  	[dreg:$0x1] =	wrdreg $0xFFFFFFFF  }
0xad: {  	[dreg:$0x0] =	wrdreg $0x60  }
0xae: {  	[dreg:$0x2] =	wrdreg s24  }
0xaf: {  	[dreg:$0x3] =	wrdreg s2  }
0xb0: {  	[dreg:$0x4] =	wrdreg $0x9  }
0xb1: {  	_ =	task.clear_ibuf [dreg:s7], $0x5FFFF;
	_ =	strace $0x90000046  }
0xb2: {  	s29 =	simm.s32 $0x9;
	_ =	strace $0x80000048  }
0xb3: {  	_ =	swait.ge [sflag:s29], $0x1  }
0xb4: {  	[sflag:s29] =	ssyncadd.s32 $0xFFFFFFFF  }
0xb5: {  	_ =	strace $0x90000048  }
0xb6: {  	_ =	sfence  }
0xb7: {  	s30 =	sld [smem:$0x0];
	_ =	sdelay $0x2  }
0xb8: {  	s31 =	sshll.u32 s1, $0xD;
	s1 =	sshrl.u32 s1, $0x2  }
0xb9: {  	s3 =	sand.u32 $0x4000, s31;
	s1 =	sadd.s32 s1, s30  }
0xba: {  	s0 =	sor.u32 s3, s0;
	s1 =	sshll.u32 s1, $0x11  }
0xbb: {  	s0 =	sor.u32 s1, s0  }
0xbc: {  	s0 =	sadd.s32 $0x8F2B, s0  }
0xbd: {  	[sflag:s0] =	ssyncadd.remote.s32 $0x1  }
0xbe: {  	_ =	sfence.sel $0xFFFF  }
0xbf: {  	[dreg:$0x0] =	wrdreg $0xFFFFFFFF;
	(pc) =	sbr.abs _section_cstart, $3  }
0xc0: {  	[dreg:$0x1] =	wrdreg $0xFFFFFFFF  }
0xc1: {  	_ =	task.clear_ibuf [dreg:s7], $0x2FFFF;
	_ =	strace $0x9FFFFFFF  }
0xc2: {  	(tm) =	ssettm $0x7FFFFFFF  }
0xc3: {  	_ =	shalt  }
tec
execute0_lowered:
.L_overlay_start_1:
0x0: {  	(tag) =	ssettag $0x1  }
0x1: {  	v0 =	vlaneseq.u32  }
0x2: {  	v16 =	vmul.u32 $0x80, v0;
	_ =	sdelay $0x1  }
0x3: {  	v1 =	vor.u32 $0x3, v16  }
0x4: {  	s5 =	rddreg [dreg:$0x0];
	[tilespmem:$0x1FD40] =	vst v1;
	v1 =	vor.u32 $0x1003, v16  }
0x5: {  	s2 =	rddreg [dreg:$0x1];
	s3 =	simm.s32 $0x0;
	[tilespmem:$0x1FD50] =	vst v1;
	v1 =	vor.u32 $0x5, v16  }
0x6: {  	s1 =	srdreg.scid;
	[smem:$0x7FF] =	sst s3;
	[tilespmem:$0x1FD60] =	vst v1;
	v1 =	vor.u32 $0x805, v16  }
0x7: {  	s6 =	sand.u32 $0x1, s1;
	s1 =	rddreg [dreg:$0x2];
	v20 =	vor.u32 $0x1, v16;
	_ =	strace $0x80000047;
	[tilespmem:$0x1FD70] =	vst v1  }
0x8: {  	v21 =	vor.u32 $0x801, v16;
	[tilespmem:$0x1FE60] =	vst v20  }
0x9: {  	v22 =	vor.u32 $0x1001, v16;
	[tilespmem:$0x1FE70] =	vst v21  }
0xa: {  	v23 =	vor.u32 $0x1801, v16;
	[tilespmem:$0x1FE80] =	vst v22  }
0xb: {  	v24 =	vor.u32 $0x2001, v16;
	[tilespmem:$0x1FE90] =	vst v23  }
0xc: {  	v25 =	vor.u32 $0x2801, v16;
	[tilespmem:$0x1FEA0] =	vst v24  }
0xd: {  	v26 =	vor.u32 $0x3001, v16;
	[tilespmem:$0x1FEB0] =	vst v25  }
0xe: {  	v27 =	vor.u32 $0x3801, v16;
	[tilespmem:$0x1FEC0] =	vst v26  }
0xf: {  	v28 =	vor.u32 $0x2, v16;
	[tilespmem:$0x1FED0] =	vst v27  }
0x10: {  	v29 =	vor.u32 $0x802, v16;
	[tilespmem:$0x1FEE0] =	vst v28  }
0x11: {  	v30 =	vor.u32 $0x1002, v16;
	[tilespmem:$0x1FEF0] =	vst v29  }
0x12: {  	v31 =	vor.u32 $0x1802, v16;
	[tilespmem:$0x1FF00] =	vst v30  }
0x13: {  	v32 =	vor.u32 $0x2002, v16;
	[tilespmem:$0x1FF10] =	vst v31  }
0x14: {  	v33 =	vor.u32 $0x2802, v16;
	[tilespmem:$0x1FF20] =	vst v32  }
0x15: {  	v34 =	vor.u32 $0x3002, v16;
	[tilespmem:$0x1FF30] =	vst v33  }
0x16: {  	v35 =	vor.u32 $0x3802, v16;
	[tilespmem:$0x1FF40] =	vst v34  }
0x17: {  	v38 =	vor.u32 $0x803, v16;
	[tilespmem:$0x1FF50] =	vst v35  }
0x18: {  	v39 =	vor.u32 $0x1803, v16;
	[tilespmem:$0x1FF60] =	vst v38  }
0x19: {  	v5 =	vor.u32 $0x2003, v16;
	[tilespmem:$0x1FF70] =	vst v39  }
0x1a: {  	v6 =	vor.u32 $0x2803, v16;
	[tilespmem:$0x1FF80] =	vst v5  }
0x1b: {  	v7 =	vor.u32 $0x3003, v16;
	[tilespmem:$0x1FF90] =	vst v6  }
0x1c: {  	v8 =	vor.u32 $0x3803, v16;
	[tilespmem:$0x1FFA0] =	vst v7  }
0x1d: {  	v37 =	vor.u32 $0x2000, v16;
	[tilespmem:$0x1FFB0] =	vst v8  }
0x1e: {  	v51 =	vor.u32 $0x2800, v16;
	[tilespmem:$0x1FFC0] =	vst v37  }
0x1f: {  	v49 =	vor.u32 $0x3000, v16;
	[tilespmem:$0x1FFD0] =	vst v51  }
0x20: {  	v50 =	vor.u32 $0x3800, v16;
	[tilespmem:$0x1FFE0] =	vst v49  }
0x21: {  	v1 =	vor.u32 $0x1005, v16;
	[tilespmem:$0x1FFF0] =	vst v50  }
0x22: {  	[tilespmem:$0x1FD80] =	vst v1;
	v1 =	vor.u32 $0x1805, v16  }
0x23: {  	[tilespmem:$0x1FD90] =	vst v1;
	v1 =	vor.u32 $0x2005, v16  }
0x24: {  	[tilespmem:$0x1FDA0] =	vst v1;
	v1 =	vor.u32 $0x2805, v16  }
0x25: {  	[tilespmem:$0x1FDB0] =	vst v1;
	v1 =	vor.u32 $0x3005, v16  }
0x26: {  	[tilespmem:$0x1FDC0] =	vst v1;
	v1 =	vor.u32 $0x3805, v16  }
0x27: {  	[tilespmem:$0x1FDD0] =	vst v1;
	v1 =	vor.u32 $0x6, v16  }
0x28: {  	s0 =	stileid.u32;
	s10 =	simm.s32 $0x4000;
	s11 =	simm.s32 $0x1;
	[tilespmem:$0x1FDE0] =	vst v1;
	v1 =	vor.u32 $0x806, v16  }
0x29: {  	s12 =	simm.s32 $0x8000;
	s13 =	simm.s32 $0x400;
	s14 =	simm.s32 $0x20000;
	[tilespmem:$0x1FDF0] =	vst v1;
	v1 =	vor.u32 $0x1006, v16  }
0x2a: {  	s15 =	simm.s32 $0x2;
	s16 =	simm.s32 $0x4;
	s17 =	simm.s32 $0xA000;
	[tilespmem:$0x1FE00] =	vst v1;
	v1 =	vor.u32 $0x1806, v16  }
.Ltmp0:
0x2b: {  	v9 =	vor.u32 $0x10, v0;
	s4 =	sshll.u32 s0, $0xA;
	s7 =	sshll.u32 s6, $0x9;
	[tilespmem:$0x1FE10] =	vst v1;
	v1 =	vor.u32 $0x2006, v16;
	(pc) =	sbr.rel .LBB2_1-.Ltmp0, $4  }
0x2c: {  	s18 =	simm.s32 $0x3;
	v10 =	vor.u32 $0x20, v0;
	v11 =	vor.u32 $0x30, v0;
	s30 =	ssub.s32 $0x2, s6;
	s4 =	sor.u32 s7, s4;
	[tilespmem:$0x1FE20] =	vst v1;
	v1 =	vor.u32 $0x2806, v16  }
0x2d: {  	v12 =	vor.u32 $0x40, v0;
	v13 =	vor.u32 $0x50, v0;
	s5 =	sadd.s32 $0x400, s5;
	s8 =	sshrl.u32 s30, $0x1;
	s31 =	sshll.u32 s4, $0x4;
	[tilespmem:$0x1FE30] =	vst v1;
	v1 =	vor.u32 $0x3006, v16  }
0x2e: {  	s19 =	simm.s32 $0x0;
	v14 =	vor.u32 $0x60, v0;
	v15 =	vor.u32 $0x70, v0;
	s9 =	ssub.s32 s30, s8;
	s6 =	sadd.s32 s5, s31;
	[tilespmem:$0x1FE40] =	vst v1;
	v1 =	vor.u32 $0x3806, v16  }
0x2f: {  	v3 =	vor.u32 $0x800, v16;
	v4 =	vor.u32 $0x1000, v16;
	v36 =	vor.u32 $0x1800, v16;
	s8 =	sadd.s32 $0x80, s2;
	s9 =	smax.u32 s9, $0x1;
	s7 =	sadd.s32 $0x800, s6;
	[tilespmem:$0x1FE50] =	vst v1  }
.LBB2_12:
0x30: {  	_ =	swait.ge [sflag:s18], $0x2000  }
0x31: {  	[sflag:s18] =	ssyncset.done $0x0  }
0x32: {  	[sflag:s18] =	ssyncadd.s32 $0xFFFFE000  }
0x33: {  	_ =	swait.ge [sflag:s16], $0x2000  }
0x34: {  	v20 =	vld [tilespmem:$0x1FE60]  }
0x35: {  	v21 =	vld [tilespmem:$0x1FE70]  }
0x36: {  	v22 =	vld [tilespmem:$0x1FE80]  }
0x37: {  	v23 =	vld [tilespmem:$0x1FE90]  }
0x38: {  	v24 =	vld [tilespmem:$0x1FEA0]  }
0x39: {  	v25 =	vld [tilespmem:$0x1FEB0]  }
0x3a: {  	v26 =	vld [tilespmem:$0x1FEC0]  }
0x3b: {  	v27 =	vld [tilespmem:$0x1FED0]  }
0x3c: {  	v28 =	vld [tilespmem:$0x1FEE0]  }
0x3d: {  	s19 =	sadd.s32 $0x1, s19;
	v29 =	vld [tilespmem:$0x1FEF0]  }
0x3e: {  	p0 =	sne.s32 s19, s9;
	v30 =	vld [tilespmem:$0x1FF00]  }
.Ltmp1:
0x3f: {  	v31 =	vld [tilespmem:$0x1FF10];
	(pc) =	sbr.rel @!p0 .LBB2_13-.Ltmp1, $4  }
0x40: {  	v32 =	vld [tilespmem:$0x1FF20]  }
0x41: {  	v33 =	vld [tilespmem:$0x1FF30]  }
0x42: {  	[sflag:s16] =	ssyncset.done $0x0;
	v34 =	vld [tilespmem:$0x1FF40]  }
0x43: {  	v35 =	vld [tilespmem:$0x1FF50];
	[sflag:s16] =	ssyncadd.s32 $0xFFFFE000  }
.LBB2_1:
0x44: {  	[tilespmem:s3], [sflag:$0x1] =	stream.linear.gather [hbm4b:s6+s3], $0x4000, $0x38;
	[tilespmem:$0xC000] =	vst v63  }
0x45: {  	s20 =	simm.s32 $0x0  }
0x46: {  	[tilespmem:s10], [sflag:$0x2] =	stream.linear.gather [hbm4b:s7+s3], $0x4000, $0x38;
	[tilespmem:$0xC000] =	vst v63  }
.LBB2_2:
0x47: {  	_ =	swait.ge [sflag:s11], $0x4000  }
0x48: {  	p0 =	seq.s32 s20, $0x0;
	[sflag:s11] =	ssyncset.done $0x0  }
0x49: {  	s21 =	simm.s32 @!p0 $0x3;
	[sflag:s11] =	ssyncadd.s32 $0xFFFFC000  }
0x4a: {  	_ =	swait.ge @!p0 [sflag:s21], $0x2000  }
0x4b: {  	[sflag:s21] =	ssyncset.done @!p0 $0x0  }
0x4c: {  	[sflag:s21] =	ssyncadd.s32 @!p0 $0xFFFFE000  }
0x4d: {  	v1 =	vld.idx.msk [tilespmem:v16+s3+$0x0], $0xffff  }
0x4e: {  	v40 =	vld.idx.msk [tilespmem:v3+s3+$0x0], $0xffff  }
0x4f: {  	v57 =	vimm.s32 $0x1;
	v41 =	vld.idx.msk [tilespmem:v4+s3+$0x0], $0xffff  }
0x50: {  	v43 =	vadd.s32 v50, v57;
	v42 =	vld.idx.msk [tilespmem:v36+s3+$0x0], $0xffff  }
0x51: {  	v45 =	vadd.s32 v16, v57;
	v44 =	vld.idx.msk [tilespmem:v37+s3+$0x0], $0xffff  }
0x52: {  	v47 =	vadd.s32 v37, v57;
	v46 =	vld.idx.msk [tilespmem:v51+s3+$0x0], $0xffff  }
0x53: {  	v63 =	vadd.s32 v49, v57;
	v48 =	vld.idx.msk [tilespmem:v49+s3+$0x0], $0xffff  }
0x54: {  	v52 =	vadd.s32 v36, v57;
	v50 =	vld.idx.msk [tilespmem:v50+s3+$0x0], $0xffff  }
0x55: {  	v38 =	vimm.s32 $0x0;
	v54 =	vadd.s32 v4, v57;
	v53 =	vld.idx.msk [tilespmem:v43+s3+$0x0], $0xffff  }
0x56: {  	v55 =	vadd.s32 v3, v57;
	v45 =	vld.idx.msk [tilespmem:v45+s3+$0x0], $0xffff;
	v43 =	vshll.u32 v38, $0x7  }
0x57: {  	v37 =	vadd.s32 v51, v57;
	v56 =	vld.idx.msk [tilespmem:v47+s3+$0x0], $0xffff;
	v39 =	vor.u32 v0, v43  }
0x58: {  	v49 =	vld.idx.msk [tilespmem:v63+s3+$0x0], $0xffff;
	v58 =	vor.u32 v9, v43  }
0x59: {  	v52 =	vld.idx.msk [tilespmem:v52+s3+$0x0], $0xffff;
	v59 =	vor.u32 v10, v43  }
0x5a: {  	v54 =	vld.idx.msk [tilespmem:v54+s3+$0x0], $0xffff;
	v60 =	vor.u32 v11, v43  }
0x5b: {  	v55 =	vld.idx.msk [tilespmem:v55+s3+$0x0], $0xffff;
	v61 =	vor.u32 v12, v43  }
0x5c: {  	v51 =	vld.idx.msk [tilespmem:v37+s3+$0x0], $0xffff;
	[tilespmem:v39+s12+$0x0] =	vst.idx.msk $0xffff, v1;
	v1 =	vor.u32 v13, v43  }
0x5d: {  	[tilespmem:v58+s12+$0x0] =	vst.idx.msk $0xffff, v40  }
0x5e: {  	v19 =	vmov v36;
	v36 =	vor.u32 v14, v43;
	[tilespmem:v59+s12+$0x0] =	vst.idx.msk $0xffff, v41  }
0x5f: {  	v37 =	vor.u32 v15, v43;
	[tilespmem:v60+s12+$0x0] =	vst.idx.msk $0xffff, v42  }
0x60: {  	v38 =	vadd.s32 v27, v57;
	[tilespmem:v61+s12+$0x0] =	vst.idx.msk $0xffff, v44  }
0x61: {  	[tilespmem:v1+s12+$0x0] =	vst.idx.msk $0xffff, v46;
	v1 =	vadd.s32 v22, v57  }
0x62: {  	v58 =	vadd.s32 v26, v57  }
0x63: {  	v59 =	vadd.s32 v25, v57;
	[tilespmem:v36+s12+$0x0] =	vst.idx.msk $0xffff, v48  }
0x64: {  	v36 =	vadd.s32 v24, v57;
	[tilespmem:v37+s12+$0x0] =	vst.idx.msk $0xffff, v50  }
0x65: {  	v37 =	vadd.s32 v20, v57;
	v60 =	vld.idx.msk [tilespmem:v38+s3+$0x0], $0xffff  }
0x66: {  	v50 =	vshll.u32 v57, $0x7;
	v43 =	vld.idx.msk [tilespmem:v1+s3+$0x0], $0xffff;
	v1 =	vadd.s32 v23, v57  }
0x67: {  	v38 =	vadd.s32 v21, v57;
	v63 =	vld.idx.msk [tilespmem:v58+s3+$0x0], $0xffff;
	v61 =	vor.u32 v0, v50  }
0x68: {  	v41 =	vld.idx.msk [tilespmem:v59+s3+$0x0], $0xffff;
	v62 =	vor.u32 v9, v50  }
0x69: {  	v44 =	vld.idx.msk [tilespmem:v36+s3+$0x0], $0xffff;
	v36 =	vor.u32 v10, v50  }
0x6a: {  	v47 =	vld.idx.msk [tilespmem:v37+s3+$0x0], $0xffff;
	v37 =	vor.u32 v11, v50  }
0x6b: {  	v46 =	vld.idx.msk [tilespmem:v1+s3+$0x0], $0xffff;
	v1 =	vor.u32 v12, v50  }
0x6c: {  	v48 =	vld.idx.msk [tilespmem:v38+s3+$0x0], $0xffff;
	v38 =	vor.u32 v13, v50;
	[tilespmem:v61+s12+$0x0] =	vst.idx.msk $0xffff, v45  }
0x6d: {  	v61 =	vor.u32 v14, v50;
	[tilespmem:v62+s12+$0x0] =	vst.idx.msk $0xffff, v55  }
0x6e: {  	v50 =	vor.u32 v15, v50;
	[tilespmem:v36+s12+$0x0] =	vst.idx.msk $0xffff, v54  }
0x6f: {  	v5 =	vld [tilespmem:$0x1FF80];
	v62 =	vadd.s32 v34, v57;
	[tilespmem:v37+s12+$0x0] =	vst.idx.msk $0xffff, v52  }
0x70: {  	v6 =	vld [tilespmem:$0x1FF90];
	v52 =	vadd.s32 v31, v57;
	[tilespmem:v1+s12+$0x0] =	vst.idx.msk $0xffff, v56  }
0x71: {  	v7 =	vld [tilespmem:$0x1FFA0];
	v36 =	vadd.s32 v33, v57;
	[tilespmem:v38+s12+$0x0] =	vst.idx.msk $0xffff, v51  }
0x72: {  	v8 =	vld [tilespmem:$0x1FFB0];
	v39 =	vadd.s32 $0x1, v57;
	v37 =	vadd.s32 v28, v57;
	[tilespmem:v61+s12+$0x0] =	vst.idx.msk $0xffff, v49  }
0x73: {  	[tilespmem:v50+s12+$0x0] =	vst.idx.msk $0xffff, v53;
	v50 =	vshll.u32 v39, $0x7;
	v39 =	vld [tilespmem:$0x1FF70]  }
0x74: {  	v61 =	vld.idx.msk [tilespmem:v62+s3+$0x0], $0xffff  }
0x75: {  	v1 =	vadd.s32 v35, v57;
	v42 =	vld.idx.msk [tilespmem:v52+s3+$0x0], $0xffff  }
0x76: {  	v38 =	vadd.s32 v32, v57;
	v40 =	vld.idx.msk [tilespmem:v36+s3+$0x0], $0xffff  }
0x77: {  	v49 =	vld.idx.msk [tilespmem:v37+s3+$0x0], $0xffff  }
0x78: {  	v36 =	vld [tilespmem:$0x1FD50]  }
0x79: {  	v37 =	vld [tilespmem:$0x1FD40]  }
0x7a: {  	v59 =	vimm.s32 $0x1;
	v53 =	vadd.s32 v30, v57;
	v52 =	vadd.s32 v29, v57;
	v62 =	vld.idx.msk [tilespmem:v1+s3+$0x0], $0xffff  }
0x7b: {  	s22 =	sshll.u32 s20, $0x8;
	v54 =	vor.u32 v0, v50;
	v51 =	vor.u32 v11, v50;
	v1 =	vadd.s32 $0x2, v57;
	v45 =	vld.idx.msk [tilespmem:v38+s3+$0x0], $0xffff  }
0x7c: {  	v17 =	vmovc v3;
	v18 =	vmovc v4;
	s23 =	simm.s32 $0x1;
	s22 =	sand.u32 $0x100, s22;
	s21 =	sshll.u32 s20, $0x1;
	v55 =	vor.u32 v9, v50;
	v58 =	vshll.u32 v1, $0x7;
	v1 =	vor.u32 v10, v50;
	v38 =	vld [tilespmem:$0x1FF60]  }
.LBB2_3:
0x7d: {  	_ =	sdelay $0x2  }
0x7e: {  	v52 =	vld.idx.msk [tilespmem:v52+s3+$0x0], $0xffff;
	v4 =	vor.u32 v12, v50  }
0x7f: {  	v53 =	vld.idx.msk [tilespmem:v53+s3+$0x0], $0xffff;
	[tilespmem:v54+s12+$0x0] =	vst.idx.msk $0xffff, v47;
	v54 =	vor.u32 v13, v50  }
0x80: {  	[tilespmem:v55+s12+$0x0] =	vst.idx.msk $0xffff, v48;
	v55 =	vor.u32 v14, v50  }
0x81: {  	[tilespmem:v1+s12+$0x0] =	vst.idx.msk $0xffff, v43;
	v1 =	vor.u32 v15, v50  }
0x82: {  	v50 =	vadd.s32 v37, v59;
	[tilespmem:v51+s12+$0x0] =	vst.idx.msk $0xffff, v46  }
0x83: {  	v51 =	vadd.s32 v36, v59;
	[tilespmem:v4+s12+$0x0] =	vst.idx.msk $0xffff, v44  }
0x84: {  	v4 =	vadd.s32 v38, v59;
	[tilespmem:v54+s12+$0x0] =	vst.idx.msk $0xffff, v41  }
0x85: {  	v54 =	vadd.s32 v5, v59;
	[tilespmem:v55+s12+$0x0] =	vst.idx.msk $0xffff, v63  }
0x86: {  	v55 =	vadd.s32 v7, v59;
	[tilespmem:v1+s12+$0x0] =	vst.idx.msk $0xffff, v60  }
0x87: {  	v63 =	vadd.s32 v8, v59;
	v43 =	vld.idx.msk [tilespmem:v50+s3+$0x0], $0xffff  }
0x88: {  	v41 =	vld.idx.msk [tilespmem:v51+s3+$0x0], $0xffff  }
0x89: {  	v60 =	vadd.s32 v39, v59;
	v4 =	vld.idx.msk [tilespmem:v4+s3+$0x0], $0xffff  }
0x8a: {  	v1 =	vadd.s32 v6, v59;
	v50 =	vor.u32 v0, v58;
	v44 =	vld.idx.msk [tilespmem:v54+s3+$0x0], $0xffff  }
0x8b: {  	v51 =	vor.u32 v9, v58;
	v46 =	vld.idx.msk [tilespmem:v55+s3+$0x0], $0xffff  }
0x8c: {  	v54 =	vor.u32 v10, v58;
	v47 =	vld.idx.msk [tilespmem:v63+s3+$0x0], $0xffff  }
0x8d: {  	v55 =	vor.u32 v11, v58;
	v63 =	vld [tilespmem:$0x1FFE0]  }
0x8e: {  	v56 =	vmov v57;
	v57 =	vadd.s32 $0x4, v57;
	v48 =	vld.idx.msk [tilespmem:v60+s3+$0x0], $0xffff;
	v60 =	vor.u32 v12, v58  }
0x8f: {  	v3 =	vadd.s32 $0x2, v57;
	v1 =	vld.idx.msk [tilespmem:v1+s3+$0x0], $0xffff;
	[tilespmem:v50+s12+$0x0] =	vst.idx.msk $0xffff, v49  }
0x90: {  	v3 =	vshll.u32 v3, $0x7;
	v49 =	vor.u32 v13, v58;
	[tilespmem:v51+s12+$0x0] =	vst.idx.msk $0xffff, v52  }
0x91: {  	v50 =	vor.u32 v14, v58;
	v51 =	vor.u32 v15, v58;
	v58 =	vmov v3;
	v3 =	vld [tilespmem:$0x1FFF0];
	[tilespmem:v54+s12+$0x0] =	vst.idx.msk $0xffff, v53  }
0x92: {  	[tilespmem:v55+s12+$0x0] =	vst.idx.msk $0xffff, v42;
	v52 =	vadd.s32 v63, v57;
	v63 =	vld [tilespmem:$0x1FFD0]  }
0x93: {  	v42 =	vadd.s32 v16, v57;
	[tilespmem:v60+s12+$0x0] =	vst.idx.msk $0xffff, v45;
	v60 =	vld [tilespmem:$0x1FFC0];
	_ =	sdelay $0x1  }
0x94: {  	[tilespmem:v49+s12+$0x0] =	vst.idx.msk $0xffff, v40;
	v40 =	vadd.s32 v17, v57  }
0x95: {  	v3 =	vadd.s32 v3, v57;
	[tilespmem:v50+s12+$0x0] =	vst.idx.msk $0xffff, v61  }
0x96: {  	[tilespmem:v51+s12+$0x0] =	vst.idx.msk $0xffff, v62;
	v53 =	vadd.s32 v63, v57  }
0x97: {  	v2 =	vadd.s32 $0x3, v59;
	v42 =	vld.idx.msk [tilespmem:v42+s3+$0x0], $0xffff;
	v45 =	vadd.s32 v60, v57;
	v60 =	vadd.s32 v18, v57  }
0x98: {  	v2 =	vshll.u32 v2, $0x7;
	v63 =	vadd.s32 v19, v57;
	v51 =	vld.idx.msk [tilespmem:v52+s3+$0x0], $0xffff  }
0x99: {  	v52 =	vor.u32 v0, v2;
	v40 =	vld.idx.msk [tilespmem:v40+s3+$0x0], $0xffff  }
0x9a: {  	v54 =	vor.u32 v9, v2;
	v3 =	vld.idx.msk [tilespmem:v3+s3+$0x0], $0xffff  }
0x9b: {  	v55 =	vor.u32 v10, v2;
	v53 =	vld.idx.msk [tilespmem:v53+s3+$0x0], $0xffff  }
0x9c: {  	v49 =	vld.idx.msk [tilespmem:v60+s3+$0x0], $0xffff;
	v60 =	vor.u32 v11, v2  }
0x9d: {  	v61 =	vor.u32 v12, v2;
	v50 =	vld.idx.msk [tilespmem:v63+s3+$0x0], $0xffff  }
0x9e: {  	v45 =	vld.idx.msk [tilespmem:v45+s3+$0x0], $0xffff;
	[tilespmem:v52+s12+$0x0] =	vst.idx.msk $0xffff, v43;
	v52 =	vor.u32 v13, v2  }
0x9f: {  	[tilespmem:v54+s12+$0x0] =	vst.idx.msk $0xffff, v4;
	v4 =	vor.u32 v14, v2  }
0xa0: {  	v2 =	vor.u32 v15, v2;
	[tilespmem:v55+s12+$0x0] =	vst.idx.msk $0xffff, v41  }
0xa1: {  	[tilespmem:v60+s12+$0x0] =	vst.idx.msk $0xffff, v48  }
0xa2: {  	v54 =	vadd.s32 v27, v57;
	[tilespmem:v61+s12+$0x0] =	vst.idx.msk $0xffff, v44  }
0xa3: {  	[tilespmem:v52+s12+$0x0] =	vst.idx.msk $0xffff, v1;
	v1 =	vadd.s32 v22, v57  }
0xa4: {  	[tilespmem:v4+s12+$0x0] =	vst.idx.msk $0xffff, v46;
	v4 =	vadd.s32 v25, v57  }
0xa5: {  	[tilespmem:v2+s12+$0x0] =	vst.idx.msk $0xffff, v47;
	v2 =	vadd.s32 v24, v57  }
0xa6: {  	v55 =	vadd.s32 v26, v57  }
0xa7: {  	v46 =	vadd.s32 v20, v57;
	v60 =	vld.idx.msk [tilespmem:v54+s3+$0x0], $0xffff  }
0xa8: {  	v52 =	vshll.u32 v57, $0x7;
	v43 =	vld.idx.msk [tilespmem:v1+s3+$0x0], $0xffff;
	v1 =	vadd.s32 v23, v57  }
0xa9: {  	v48 =	vadd.s32 v21, v57;
	v41 =	vld.idx.msk [tilespmem:v4+s3+$0x0], $0xffff;
	v4 =	vor.u32 v0, v52  }
0xaa: {  	v44 =	vld.idx.msk [tilespmem:v2+s3+$0x0], $0xffff;
	v2 =	vor.u32 v9, v52  }
0xab: {  	v62 =	vor.u32 v10, v52;
	v63 =	vld.idx.msk [tilespmem:v55+s3+$0x0], $0xffff  }
0xac: {  	v61 =	vor.u32 v11, v52;
	v47 =	vld.idx.msk [tilespmem:v46+s3+$0x0], $0xffff  }
0xad: {  	v46 =	vld.idx.msk [tilespmem:v1+s3+$0x0], $0xffff;
	v1 =	vor.u32 v12, v52  }
0xae: {  	v48 =	vld.idx.msk [tilespmem:v48+s3+$0x0], $0xffff;
	[tilespmem:v4+s12+$0x0] =	vst.idx.msk $0xffff, v42;
	v4 =	vor.u32 v13, v52  }
0xaf: {  	[tilespmem:v2+s12+$0x0] =	vst.idx.msk $0xffff, v40;
	v2 =	vor.u32 v14, v52  }
0xb0: {  	[tilespmem:v62+s12+$0x0] =	vst.idx.msk $0xffff, v49;
	v62 =	vor.u32 v15, v52  }
0xb1: {  	v49 =	vadd.s32 v34, v57;
	[tilespmem:v61+s12+$0x0] =	vst.idx.msk $0xffff, v50  }
0xb2: {  	[tilespmem:v1+s12+$0x0] =	vst.idx.msk $0xffff, v45;
	v1 =	vadd.s32 v35, v57  }
0xb3: {  	v45 =	vadd.s32 v32, v57;
	[tilespmem:v4+s12+$0x0] =	vst.idx.msk $0xffff, v53  }
0xb4: {  	v4 =	vadd.s32 v31, v57;
	[tilespmem:v2+s12+$0x0] =	vst.idx.msk $0xffff, v51  }
0xb5: {  	s23 =	sadd.s32 $0x4, s23;
	v2 =	vadd.s32 v33, v57;
	[tilespmem:v62+s12+$0x0] =	vst.idx.msk $0xffff, v3  }
0xb6: {  	p1 =	slt.u32 s23, $0x39;
	v3 =	vadd.s32 v28, v57;
	v61 =	vld.idx.msk [tilespmem:v49+s3+$0x0], $0xffff  }
.Ltmp2:
0xb7: {  	v62 =	vld.idx.msk [tilespmem:v1+s3+$0x0], $0xffff;
	(pc) =	sbr.rel @p1 .LBB2_3-.Ltmp2, $4  }
0xb8: {  	v50 =	vadd.s32 $0x1, v57;
	v45 =	vld.idx.msk [tilespmem:v45+s3+$0x0], $0xffff  }
0xb9: {  	v59 =	vmov v57;
	v50 =	vshll.u32 v50, $0x7;
	v42 =	vld.idx.msk [tilespmem:v4+s3+$0x0], $0xffff  }
0xba: {  	v52 =	vadd.s32 v29, v57;
	v53 =	vadd.s32 v30, v57;
	v54 =	vor.u32 v0, v50;
	v40 =	vld.idx.msk [tilespmem:v2+s3+$0x0], $0xffff  }
0xbb: {  	v55 =	vor.u32 v9, v50;
	v51 =	vor.u32 v11, v50;
	v1 =	vor.u32 v10, v50;
	v49 =	vld.idx.msk [tilespmem:v3+s3+$0x0], $0xffff  }
0xbc: {  	_ =	sdelay $0x3  }
0xbd: {  	v2 =	vld.idx.msk [tilespmem:v52+s3+$0x0], $0xffff;
	v4 =	vor.u32 v12, v50  }
0xbe: {  	v3 =	vld.idx.msk [tilespmem:v53+s3+$0x0], $0xffff;
	[tilespmem:v54+s12+$0x0] =	vst.idx.msk $0xffff, v47;
	v24 =	vor.u32 v13, v50  }
0xbf: {  	v25 =	vor.u32 v14, v50;
	[tilespmem:v55+s12+$0x0] =	vst.idx.msk $0xffff, v48  }
0xc0: {  	[tilespmem:v1+s12+$0x0] =	vst.idx.msk $0xffff, v43;
	v1 =	vor.u32 v15, v50  }
0xc1: {  	v26 =	vadd.s32 v37, v59;
	[tilespmem:v51+s12+$0x0] =	vst.idx.msk $0xffff, v46  }
0xc2: {  	v27 =	vadd.s32 v36, v59;
	[tilespmem:v4+s12+$0x0] =	vst.idx.msk $0xffff, v44  }
0xc3: {  	v28 =	vadd.s32 v5, v59;
	[tilespmem:v24+s12+$0x0] =	vst.idx.msk $0xffff, v41  }
0xc4: {  	v29 =	vadd.s32 v7, v59;
	[tilespmem:v25+s12+$0x0] =	vst.idx.msk $0xffff, v63  }
0xc5: {  	v30 =	vadd.s32 v8, v59;
	v5 =	vld [tilespmem:$0x1FD60];
	[tilespmem:v1+s12+$0x0] =	vst.idx.msk $0xffff, v60  }
0xc6: {  	v31 =	vadd.s32 v39, v59;
	v43 =	vld.idx.msk [tilespmem:v26+s3+$0x0], $0xffff  }
0xc7: {  	v4 =	vadd.s32 v38, v59;
	v41 =	vld.idx.msk [tilespmem:v27+s3+$0x0], $0xffff  }
0xc8: {  	v1 =	vadd.s32 v6, v59;
	v44 =	vld.idx.msk [tilespmem:v28+s3+$0x0], $0xffff  }
0xc9: {  	v32 =	vor.u32 v0, v58;
	v46 =	vld.idx.msk [tilespmem:v29+s3+$0x0], $0xffff  }
0xca: {  	v47 =	vld.idx.msk [tilespmem:v30+s3+$0x0], $0xffff  }
0xcb: {  	v48 =	vld.idx.msk [tilespmem:v31+s3+$0x0], $0xffff  }
0xcc: {  	v4 =	vld.idx.msk [tilespmem:v4+s3+$0x0], $0xffff  }
0xcd: {  	v1 =	vld.idx.msk [tilespmem:v1+s3+$0x0], $0xffff  }
0xce: {  	v33 =	vor.u32 v9, v58;
	[tilespmem:v32+s12+$0x0] =	vst.idx.msk $0xffff, v49;
	v32 =	vadd.s32 v5, v56;
	v5 =	vld [tilespmem:$0x1FD70];
	_ =	sdelay $0x2  }
0xcf: {  	v34 =	vor.u32 v10, v58  }
0xd0: {  	v35 =	vor.u32 v11, v58  }
0xd1: {  	v36 =	vor.u32 v12, v58;
	[tilespmem:v33+s12+$0x0] =	vst.idx.msk $0xffff, v2;
	v33 =	vadd.s32 v5, v56;
	v5 =	vld [tilespmem:$0x1FDA0]  }
0xd2: {  	v37 =	vor.u32 v13, v58  }
0xd3: {  	v2 =	vor.u32 v14, v58  }
0xd4: {  	v22 =	vld [tilespmem:$0x1FFE0];
	v38 =	vadd.s32 $0x4, v57;
	[tilespmem:v34+s12+$0x0] =	vst.idx.msk $0xffff, v3;
	v3 =	vor.u32 v15, v58  }
0xd5: {  	v21 =	vld [tilespmem:$0x1FFF0];
	v57 =	vadd.s32 v16, v38;
	[tilespmem:v35+s12+$0x0] =	vst.idx.msk $0xffff, v42  }
0xd6: {  	[tilespmem:v36+s12+$0x0] =	vst.idx.msk $0xffff, v45;
	v34 =	vadd.s32 v5, v56;
	v5 =	vld [tilespmem:$0x1FDB0]  }
0xd7: {  	v58 =	vadd.s32 v17, v38;
	[tilespmem:v37+s12+$0x0] =	vst.idx.msk $0xffff, v40  }
0xd8: {  	v7 =	vmov v18;
	v60 =	vadd.s32 v18, v38;
	v18 =	vld [tilespmem:$0x1FFD0];
	[tilespmem:v2+s12+$0x0] =	vst.idx.msk $0xffff, v61  }
0xd9: {  	v23 =	vld [tilespmem:$0x1FFC0];
	v63 =	vadd.s32 v22, v38;
	[tilespmem:v3+s12+$0x0] =	vst.idx.msk $0xffff, v62  }
0xda: {  	v24 =	vadd.s32 v21, v38;
	v42 =	vld.idx.msk [tilespmem:v57+s3+$0x0], $0xffff  }
0xdb: {  	v35 =	vadd.s32 v5, v56;
	v5 =	vld [tilespmem:$0x1FDC0]  }
0xdc: {  	v2 =	vadd.s32 v19, v38;
	v62 =	vadd.s32 $0x3, v59;
	v45 =	vld.idx.msk [tilespmem:v58+s3+$0x0], $0xffff  }
0xdd: {  	v61 =	vadd.s32 v18, v38;
	v40 =	vld.idx.msk [tilespmem:v60+s3+$0x0], $0xffff;
	v51 =	vshll.u32 v62, $0x7  }
0xde: {  	v3 =	vadd.s32 v23, v38;
	v52 =	vld.idx.msk [tilespmem:v63+s3+$0x0], $0xffff;
	v25 =	vor.u32 v0, v51  }
0xdf: {  	v53 =	vld.idx.msk [tilespmem:v24+s3+$0x0], $0xffff;
	v26 =	vor.u32 v9, v51  }
0xe0: {  	v27 =	vor.u32 v10, v51;
	v36 =	vadd.s32 v5, v56;
	v5 =	vld [tilespmem:$0x1FDD0]  }
0xe1: {  	v28 =	vor.u32 v11, v51;
	v2 =	vld.idx.msk [tilespmem:v2+s3+$0x0], $0xffff  }
0xe2: {  	v29 =	vor.u32 v12, v51;
	v49 =	vld.idx.msk [tilespmem:v61+s3+$0x0], $0xffff  }
0xe3: {  	v30 =	vor.u32 v13, v51;
	v3 =	vld.idx.msk [tilespmem:v3+s3+$0x0], $0xffff;
	[tilespmem:v25+s12+$0x0] =	vst.idx.msk $0xffff, v43  }
0xe4: {  	[tilespmem:v26+s12+$0x0] =	vst.idx.msk $0xffff, v4;
	v4 =	vor.u32 v14, v51  }
0xe5: {  	[tilespmem:v27+s12+$0x0] =	vst.idx.msk $0xffff, v41;
	v37 =	vadd.s32 v5, v56;
	v5 =	vld [tilespmem:$0x1FE00]  }
0xe6: {  	v31 =	vor.u32 v15, v51;
	[tilespmem:v28+s12+$0x0] =	vst.idx.msk $0xffff, v48  }
0xe7: {  	[tilespmem:v29+s12+$0x0] =	vst.idx.msk $0xffff, v44  }
0xe8: {  	[tilespmem:v30+s12+$0x0] =	vst.idx.msk $0xffff, v1;
	v1 =	vld [tilespmem:$0x1FD80]  }
0xe9: {  	[tilespmem:v4+s12+$0x0] =	vst.idx.msk $0xffff, v46;
	v4 =	vld [tilespmem:$0x1FD90]  }
0xea: {  	v26 =	vadd.s32 v5, v56;
	v5 =	vld [tilespmem:$0x1FE10]  }
0xeb: {  	[tilespmem:v31+s12+$0x0] =	vst.idx.msk $0xffff, v47  }
0xec: {  	v43 =	vld.idx.msk [tilespmem:v32+s3+$0x0], $0xffff  }
0xed: {  	v44 =	vld.idx.msk [tilespmem:v33+s3+$0x0], $0xffff;
	v1 =	vadd.s32 v1, v56  }
0xee: {  	v41 =	vld.idx.msk [tilespmem:v34+s3+$0x0], $0xffff;
	v4 =	vadd.s32 v4, v56  }
0xef: {  	v50 =	vshll.u32 v38, $0x7;
	v27 =	vadd.s32 v5, v56;
	v5 =	vld [tilespmem:$0x1FE20]  }
0xf0: {  	v38 =	vor.u32 v0, v50;
	v46 =	vld.idx.msk [tilespmem:v35+s3+$0x0], $0xffff  }
0xf1: {  	v39 =	vor.u32 v9, v50;
	v47 =	vld.idx.msk [tilespmem:v36+s3+$0x0], $0xffff  }
0xf2: {  	v60 =	vor.u32 v10, v50;
	v1 =	vld.idx.msk [tilespmem:v1+s3+$0x0], $0xffff  }
0xf3: {  	v61 =	vor.u32 v11, v50;
	v4 =	vld.idx.msk [tilespmem:v4+s3+$0x0], $0xffff  }
0xf4: {  	v28 =	vadd.s32 v5, v56;
	v5 =	vld [tilespmem:$0x1FE30]  }
0xf5: {  	v62 =	vor.u32 v12, v50;
	v48 =	vld.idx.msk [tilespmem:v37+s3+$0x0], $0xffff;
	[tilespmem:v38+s12+$0x0] =	vst.idx.msk $0xffff, v42  }
0xf6: {  	[tilespmem:v39+s12+$0x0] =	vst.idx.msk $0xffff, v45  }
0xf7: {  	[tilespmem:v60+s12+$0x0] =	vst.idx.msk $0xffff, v40  }
0xf8: {  	[tilespmem:v61+s12+$0x0] =	vst.idx.msk $0xffff, v2;
	v2 =	vld [tilespmem:$0x1FDE0]  }
0xf9: {  	v63 =	vor.u32 v13, v50;
	v29 =	vadd.s32 v5, v56;
	v5 =	vld [tilespmem:$0x1FE40]  }
0xfa: {  	v24 =	vor.u32 v14, v50;
	[tilespmem:v62+s12+$0x0] =	vst.idx.msk $0xffff, v3;
	v3 =	vld [tilespmem:$0x1FDF0]  }
0xfb: {  	v25 =	vor.u32 v15, v50;
	_ =	sdelay $0x2  }
0xfc: {  	[tilespmem:v63+s12+$0x0] =	vst.idx.msk $0xffff, v49;
	v2 =	vadd.s32 v2, v56;
	v31 =	vadd.s32 v5, v56;
	v5 =	vld [tilespmem:$0x1FE50]  }
0xfd: {  	[tilespmem:v24+s12+$0x0] =	vst.idx.msk $0xffff, v52;
	v3 =	vadd.s32 v3, v56  }
0xfe: {  	[tilespmem:v25+s12+$0x0] =	vst.idx.msk $0xffff, v53  }
0xff: {  	v30 =	vadd.s32 $0x5, v56;
	v42 =	vld.idx.msk [tilespmem:v26+s3+$0x0], $0xffff  }
0x100: {  	v50 =	vshll.u32 v30, $0x7;
	v45 =	vld.idx.msk [tilespmem:v27+s3+$0x0], $0xffff  }
0x101: {  	v33 =	vor.u32 v0, v50;
	v2 =	vld.idx.msk [tilespmem:v2+s3+$0x0], $0xffff;
	v32 =	vadd.s32 v5, v56  }
0x102: {  	v34 =	vor.u32 v9, v50;
	v3 =	vld.idx.msk [tilespmem:v3+s3+$0x0], $0xffff  }
0x103: {  	v35 =	vor.u32 v10, v50;
	v40 =	vld.idx.msk [tilespmem:v28+s3+$0x0], $0xffff  }
0x104: {  	v36 =	vor.u32 v11, v50;
	v49 =	vld.idx.msk [tilespmem:v29+s3+$0x0], $0xffff  }
0x105: {  	v37 =	vor.u32 v12, v50;
	v51 =	vld.idx.msk [tilespmem:v31+s3+$0x0], $0xffff  }
0x106: {  	v38 =	vor.u32 v13, v50;
	v52 =	vld.idx.msk [tilespmem:v32+s3+$0x0], $0xffff;
	[tilespmem:v33+s12+$0x0] =	vst.idx.msk $0xffff, v43  }
0x107: {  	v59 =	vadd.s32 $0x6, v56;
	v60 =	vor.u32 v14, v50;
	[tilespmem:v34+s12+$0x0] =	vst.idx.msk $0xffff, v44  }
0x108: {  	v44 =	vshll.u32 v59, $0x7;
	[tilespmem:v35+s12+$0x0] =	vst.idx.msk $0xffff, v1;
	v1 =	vor.u32 v15, v50  }
0x109: {  	[tilespmem:v36+s12+$0x0] =	vst.idx.msk $0xffff, v4;
	v4 =	vor.u32 v0, v44  }
0x10a: {  	v61 =	vor.u32 v9, v44;
	[tilespmem:v37+s12+$0x0] =	vst.idx.msk $0xffff, v41  }
0x10b: {  	v62 =	vor.u32 v10, v44;
	[tilespmem:v38+s12+$0x0] =	vst.idx.msk $0xffff, v46  }
0x10c: {  	v63 =	vor.u32 v11, v44;
	[tilespmem:v60+s12+$0x0] =	vst.idx.msk $0xffff, v47  }
0x10d: {  	[tilespmem:v1+s12+$0x0] =	vst.idx.msk $0xffff, v48;
	v1 =	vor.u32 v12, v44  }
0x10e: {  	[tilespmem:v4+s12+$0x0] =	vst.idx.msk $0xffff, v2;
	v2 =	vor.u32 v13, v44  }
0x10f: {  	[tilespmem:v61+s12+$0x0] =	vst.idx.msk $0xffff, v3;
	v3 =	vor.u32 v14, v44  }
0x110: {  	v4 =	vor.u32 v15, v44;
	[tilespmem:v62+s12+$0x0] =	vst.idx.msk $0xffff, v42  }
0x111: {  	s23 =	sshll.u32 s20, $0x10;
	p1 =	sne.s32 s20, $0x33;
	[tilespmem:v63+s12+$0x0] =	vst.idx.msk $0xffff, v45  }
.Ltmp3:
0x112: {  	s23 =	sand.u32 $0x3E0000, s23;
	[tilespmem:v1+s12+$0x0] =	vst.idx.msk $0xffff, v40;
	(pc) =	sbr.rel @p1 .LBB2_6-.Ltmp3, $4  }
0x113: {  	s22 =	sor.u32 s22, s23;
	[tilespmem:v2+s12+$0x0] =	vst.idx.msk $0xffff, v49  }
0x114: {  	s22 =	sor.u32 s4, s22;
	[tilespmem:v3+s12+$0x0] =	vst.idx.msk $0xffff, v51  }
0x115: {  	s31 =	sadd.s32 s2, s22;
	[tilespmem:v4+s12+$0x0] =	vst.idx.msk $0xffff, v52  }
0x116: {  	v8 =	vmov v19;
	v6 =	vmov v17;
	v5 =	vmov v16;
	[hbm4b:s31+s13] =	stream.strided.scatter [tilespmem:s12], [sflag:$0x3], $0x2000, s14, s13, $0x38;
	[tilespmem:$0xC000] =	vst v63  }
.Ltmp4:
0x117: {  	(pc) =	sbr.rel .LBB2_7-.Ltmp4, $4  }
0x118: {  	_ = 	snop  }
0x119: {  	_ =	swait.ge [sflag:s15], $0x4000  }
0x11a: {  	[sflag:s15] =	ssyncset.done $0x0  }
0x11b: {  	[sflag:s15] =	ssyncadd.s32 $0xFFFFC000  }
.LBB2_6:
0x11c: {  	s23 =	sadd.s32 $0x2, s21  }
0x11d: {  	s24 =	sshll.u32 s23, $0x7;
	s23 =	sshll.u32 s23, $0xC  }
0x11e: {  	s24 =	sand.u32 $0x100, s24;
	s23 =	sand.u32 $0xFC000, s23  }
0x11f: {  	s23 =	sor.u32 s24, s23  }
0x120: {  	s23 =	sor.u32 s4, s23  }
0x121: {  	s23 =	sshll.u32 s23, $0x4  }
.Ltmp5:
0x122: {  	s23 =	sadd.s32 s5, s23;
	(pc) =	sbr.rel @p0 .LBB2_8-.Ltmp5, $4  }
0x123: {  	[tilespmem:s3], [sflag:$0x1] =	stream.linear.gather [hbm4b:s23+s3], $0x4000, $0x38;
	[tilespmem:$0xC000] =	vst v63  }
0x124: {  	_ =	swait.ge [sflag:s15], $0x4000  }
0x125: {  	[sflag:s15] =	ssyncset.done $0x0  }
0x126: {  	[sflag:s15] =	ssyncadd.s32 $0xFFFFC000  }
.LBB2_7:
0x127: {  	_ =	swait.ge [sflag:s16], $0x2000  }
0x128: {  	[sflag:s16] =	ssyncset.done $0x0  }
0x129: {  	[sflag:s16] =	ssyncadd.s32 $0xFFFFE000  }
.LBB2_8:
0x12a: {  	_ =	sdelay $0x3  }
0x12b: {  	v1 =	vld.idx.msk [tilespmem:v5+s10+$0x0], $0xffff  }
0x12c: {  	v2 =	vld.idx.msk [tilespmem:v6+s10+$0x0], $0xffff  }
0x12d: {  	v3 =	vld.idx.msk [tilespmem:v7+s10+$0x0], $0xffff  }
0x12e: {  	v4 =	vld.idx.msk [tilespmem:v8+s10+$0x0], $0xffff  }
0x12f: {  	v41 =	vld.idx.msk [tilespmem:v23+s10+$0x0], $0xffff  }
0x130: {  	v43 =	vld.idx.msk [tilespmem:v18+s10+$0x0], $0xffff  }
0x131: {  	v45 =	vld.idx.msk [tilespmem:v22+s10+$0x0], $0xffff  }
0x132: {  	v47 =	vld.idx.msk [tilespmem:v21+s10+$0x0], $0xffff  }
0x133: {  	v16 =	vld [tilespmem:$0x1FED0]  }
0x134: {  	v57 =	vimm.s32 $0x1;
	v26 =	vld [tilespmem:$0x1FEC0]  }
0x135: {  	v19 =	vld [tilespmem:$0x1FE80];
	v40 =	vadd.s32 v21, v57  }
0x136: {  	v25 =	vld [tilespmem:$0x1FEB0];
	v42 =	vadd.s32 v5, v57  }
0x137: {  	v17 =	vld [tilespmem:$0x1FEA0];
	v44 =	vadd.s32 v23, v57  }
0x138: {  	v20 =	vld [tilespmem:$0x1FE60];
	v46 =	vadd.s32 v22, v57  }
0x139: {  	v27 =	vld [tilespmem:$0x1FE70];
	v48 =	vadd.s32 v18, v57  }
0x13a: {  	v50 =	vimm.s32 $0x0;
	v49 =	vadd.s32 v8, v57;
	v40 =	vld.idx.msk [tilespmem:v40+s10+$0x0], $0xffff  }
0x13b: {  	v51 =	vadd.s32 v7, v57;
	v37 =	vshll.u32 v50, $0x7;
	v42 =	vld.idx.msk [tilespmem:v42+s10+$0x0], $0xffff  }
0x13c: {  	v52 =	vadd.s32 v6, v57;
	v62 =	vor.u32 v0, v37;
	v53 =	vld.idx.msk [tilespmem:v44+s10+$0x0], $0xffff  }
0x13d: {  	v63 =	vor.u32 v9, v37;
	v38 =	vld.idx.msk [tilespmem:v46+s10+$0x0], $0xffff  }
0x13e: {  	v55 =	vor.u32 v10, v37;
	v54 =	vld.idx.msk [tilespmem:v48+s10+$0x0], $0xffff  }
0x13f: {  	v56 =	vor.u32 v11, v37;
	v49 =	vld.idx.msk [tilespmem:v49+s10+$0x0], $0xffff  }
0x140: {  	v58 =	vor.u32 v12, v37;
	v51 =	vld.idx.msk [tilespmem:v51+s10+$0x0], $0xffff  }
0x141: {  	v52 =	vld.idx.msk [tilespmem:v52+s10+$0x0], $0xffff;
	[tilespmem:v62+s17+$0x0] =	vst.idx.msk $0xffff, v1;
	v1 =	vor.u32 v13, v37  }
0x142: {  	v31 =	vld [tilespmem:$0x1FF10];
	[tilespmem:v63+s17+$0x0] =	vst.idx.msk $0xffff, v2;
	v2 =	vor.u32 v14, v37  }
0x143: {  	v28 =	vld [tilespmem:$0x1FEE0];
	[tilespmem:v55+s17+$0x0] =	vst.idx.msk $0xffff, v3;
	v3 =	vor.u32 v15, v37  }
0x144: {  	v29 =	vld [tilespmem:$0x1FEF0];
	[tilespmem:v56+s17+$0x0] =	vst.idx.msk $0xffff, v4  }
0x145: {  	v30 =	vld [tilespmem:$0x1FF00];
	v4 =	vadd.s32 v16, v57;
	[tilespmem:v58+s17+$0x0] =	vst.idx.msk $0xffff, v41  }
0x146: {  	v18 =	vld [tilespmem:$0x1FE90];
	[tilespmem:v1+s17+$0x0] =	vst.idx.msk $0xffff, v43;
	v1 =	vadd.s32 v19, v57  }
0x147: {  	v39 =	vld [tilespmem:$0x1FF70];
	[tilespmem:v2+s17+$0x0] =	vst.idx.msk $0xffff, v45;
	v2 =	vadd.s32 v25, v57  }
0x148: {  	v24 =	vld [tilespmem:$0x1FFB0];
	[tilespmem:v3+s17+$0x0] =	vst.idx.msk $0xffff, v47;
	v3 =	vadd.s32 v17, v57  }
0x149: {  	v21 =	vld [tilespmem:$0x1FF80];
	v32 =	vadd.s32 v26, v57  }
0x14a: {  	v60 =	vld.idx.msk [tilespmem:v4+s10+$0x0], $0xffff;
	v4 =	vadd.s32 v27, v57  }
0x14b: {  	v34 =	vshll.u32 v57, $0x7;
	v43 =	vld.idx.msk [tilespmem:v1+s10+$0x0], $0xffff;
	v1 =	vadd.s32 v18, v57  }
0x14c: {  	v33 =	vadd.s32 v20, v57;
	v41 =	vld.idx.msk [tilespmem:v2+s10+$0x0], $0xffff;
	v2 =	vor.u32 v0, v34  }
0x14d: {  	v44 =	vld.idx.msk [tilespmem:v3+s10+$0x0], $0xffff;
	v3 =	vor.u32 v9, v34  }
0x14e: {  	v35 =	vor.u32 v10, v34;
	v63 =	vld.idx.msk [tilespmem:v32+s10+$0x0], $0xffff  }
0x14f: {  	v48 =	vld.idx.msk [tilespmem:v4+s10+$0x0], $0xffff;
	v4 =	vor.u32 v11, v34  }
0x150: {  	v46 =	vld.idx.msk [tilespmem:v1+s10+$0x0], $0xffff;
	v1 =	vor.u32 v12, v34  }
0x151: {  	v47 =	vld.idx.msk [tilespmem:v33+s10+$0x0], $0xffff;
	[tilespmem:v2+s17+$0x0] =	vst.idx.msk $0xffff, v42;
	v2 =	vor.u32 v13, v34  }
0x152: {  	v36 =	vor.u32 v15, v34;
	[tilespmem:v3+s17+$0x0] =	vst.idx.msk $0xffff, v52;
	v3 =	vor.u32 v14, v34;
	v34 =	vld [tilespmem:$0x1FF40]  }
0x153: {  	v33 =	vld [tilespmem:$0x1FF30];
	[tilespmem:v35+s17+$0x0] =	vst.idx.msk $0xffff, v51  }
0x154: {  	v37 =	vadd.s32 v28, v57;
	v35 =	vld [tilespmem:$0x1FF50];
	[tilespmem:v4+s17+$0x0] =	vst.idx.msk $0xffff, v49  }
0x155: {  	v32 =	vld [tilespmem:$0x1FF20];
	[tilespmem:v1+s17+$0x0] =	vst.idx.msk $0xffff, v53  }
0x156: {  	v22 =	vld [tilespmem:$0x1FF90];
	[tilespmem:v2+s17+$0x0] =	vst.idx.msk $0xffff, v54;
	v2 =	vadd.s32 v31, v57  }
0x157: {  	v23 =	vld [tilespmem:$0x1FFA0];
	v4 =	vadd.s32 v34, v57;
	[tilespmem:v3+s17+$0x0] =	vst.idx.msk $0xffff, v38  }
0x158: {  	v3 =	vadd.s32 v33, v57;
	[tilespmem:v36+s17+$0x0] =	vst.idx.msk $0xffff, v40;
	v36 =	vld [tilespmem:$0x1FD50]  }
0x159: {  	v1 =	vadd.s32 v35, v57;
	v49 =	vld.idx.msk [tilespmem:v37+s10+$0x0], $0xffff  }
0x15a: {  	v38 =	vadd.s32 v32, v57;
	v37 =	vld [tilespmem:$0x1FD40]  }
0x15b: {  	v42 =	vld.idx.msk [tilespmem:v2+s10+$0x0], $0xffff  }
0x15c: {  	v61 =	vld.idx.msk [tilespmem:v4+s10+$0x0], $0xffff  }
0x15d: {  	v58 =	vimm.s32 $0x1;
	v4 =	vadd.s32 $0x1, v57;
	v40 =	vld.idx.msk [tilespmem:v3+s10+$0x0], $0xffff  }
0x15e: {  	v52 =	vadd.s32 v30, v57;
	v62 =	vld.idx.msk [tilespmem:v1+s10+$0x0], $0xffff;
	v1 =	vadd.s32 $0x2, v57;
	v50 =	vshll.u32 v4, $0x7  }
0x15f: {  	v54 =	vadd.s32 v29, v57;
	v45 =	vld.idx.msk [tilespmem:v38+s10+$0x0], $0xffff;
	v59 =	vshll.u32 v1, $0x7;
	v53 =	vor.u32 v0, v50  }
0x160: {  	s23 =	simm.s32 $0x1;
	v38 =	vld [tilespmem:$0x1FF60];
	v51 =	vor.u32 v11, v50;
	v1 =	vor.u32 v9, v50;
	v55 =	vor.u32 v10, v50  }
.LBB2_9:
0x161: {  	_ =	sdelay $0x2  }
0x162: {  	v2 =	vld.idx.msk [tilespmem:v54+s10+$0x0], $0xffff;
	v54 =	vor.u32 v12, v50  }
0x163: {  	v52 =	vld.idx.msk [tilespmem:v52+s10+$0x0], $0xffff;
	[tilespmem:v53+s17+$0x0] =	vst.idx.msk $0xffff, v47;
	v47 =	vor.u32 v13, v50  }
0x164: {  	[tilespmem:v1+s17+$0x0] =	vst.idx.msk $0xffff, v48;
	v1 =	vor.u32 v14, v50  }
0x165: {  	v50 =	vor.u32 v15, v50;
	[tilespmem:v55+s17+$0x0] =	vst.idx.msk $0xffff, v43  }
0x166: {  	[tilespmem:v51+s17+$0x0] =	vst.idx.msk $0xffff, v46;
	v51 =	vadd.s32 v37, v58  }
0x167: {  	v53 =	vadd.s32 v38, v58;
	[tilespmem:v54+s17+$0x0] =	vst.idx.msk $0xffff, v44  }
0x168: {  	v55 =	vadd.s32 v22, v58;
	[tilespmem:v47+s17+$0x0] =	vst.idx.msk $0xffff, v41  }
0x169: {  	v54 =	vadd.s32 v36, v58;
	[tilespmem:v1+s17+$0x0] =	vst.idx.msk $0xffff, v63  }
0x16a: {  	v47 =	vadd.s32 v23, v58;
	[tilespmem:v50+s17+$0x0] =	vst.idx.msk $0xffff, v60  }
0x16b: {  	v1 =	vadd.s32 v21, v58;
	v46 =	vld.idx.msk [tilespmem:v51+s10+$0x0], $0xffff  }
0x16c: {  	v63 =	vadd.s32 v24, v58;
	v44 =	vld.idx.msk [tilespmem:v53+s10+$0x0], $0xffff  }
0x16d: {  	v60 =	vadd.s32 v39, v58;
	v43 =	vld.idx.msk [tilespmem:v55+s10+$0x0], $0xffff  }
0x16e: {  	v51 =	vor.u32 v0, v59;
	v41 =	vld.idx.msk [tilespmem:v54+s10+$0x0], $0xffff  }
0x16f: {  	v53 =	vor.u32 v9, v59;
	v47 =	vld.idx.msk [tilespmem:v47+s10+$0x0], $0xffff  }
0x170: {  	v54 =	vor.u32 v10, v59;
	v1 =	vld.idx.msk [tilespmem:v1+s10+$0x0], $0xffff  }
0x171: {  	v55 =	vor.u32 v11, v59;
	v48 =	vld.idx.msk [tilespmem:v63+s10+$0x0], $0xffff  }
0x172: {  	v56 =	vmov v57;
	v57 =	vadd.s32 $0x4, v57;
	v50 =	vld.idx.msk [tilespmem:v60+s10+$0x0], $0xffff;
	v60 =	vor.u32 v12, v59  }
0x173: {  	v4 =	vadd.s32 $0x2, v57;
	v63 =	vld [tilespmem:$0x1FFE0];
	[tilespmem:v51+s17+$0x0] =	vst.idx.msk $0xffff, v49  }
0x174: {  	v4 =	vshll.u32 v4, $0x7;
	v49 =	vor.u32 v13, v59;
	[tilespmem:v53+s17+$0x0] =	vst.idx.msk $0xffff, v2  }
0x175: {  	v51 =	vor.u32 v15, v59;
	v2 =	vor.u32 v14, v59;
	v59 =	vmov v4;
	v4 =	vld [tilespmem:$0x1FFF0];
	[tilespmem:v54+s17+$0x0] =	vst.idx.msk $0xffff, v52  }
0x176: {  	[tilespmem:v55+s17+$0x0] =	vst.idx.msk $0xffff, v42  }
0x177: {  	v42 =	vadd.s32 v5, v57;
	[tilespmem:v60+s17+$0x0] =	vst.idx.msk $0xffff, v45;
	v60 =	vld [tilespmem:$0x1FFC0]  }
0x178: {  	v52 =	vadd.s32 v63, v57;
	v63 =	vld [tilespmem:$0x1FFD0]  }
0x179: {  	[tilespmem:v49+s17+$0x0] =	vst.idx.msk $0xffff, v40;
	v40 =	vadd.s32 v6, v57  }
0x17a: {  	v4 =	vadd.s32 v4, v57;
	[tilespmem:v2+s17+$0x0] =	vst.idx.msk $0xffff, v61  }
0x17b: {  	v2 =	vadd.s32 v8, v57;
	[tilespmem:v51+s17+$0x0] =	vst.idx.msk $0xffff, v62  }
0x17c: {  	v3 =	vadd.s32 $0x3, v58;
	v42 =	vld.idx.msk [tilespmem:v42+s10+$0x0], $0xffff;
	v45 =	vadd.s32 v60, v57;
	v60 =	vadd.s32 v7, v57  }
0x17d: {  	v3 =	vshll.u32 v3, $0x7;
	v53 =	vadd.s32 v63, v57;
	v51 =	vld.idx.msk [tilespmem:v52+s10+$0x0], $0xffff  }
0x17e: {  	v52 =	vor.u32 v0, v3;
	v40 =	vld.idx.msk [tilespmem:v40+s10+$0x0], $0xffff  }
0x17f: {  	v54 =	vor.u32 v9, v3;
	v4 =	vld.idx.msk [tilespmem:v4+s10+$0x0], $0xffff  }
0x180: {  	v55 =	vor.u32 v10, v3;
	v2 =	vld.idx.msk [tilespmem:v2+s10+$0x0], $0xffff  }
0x181: {  	v49 =	vld.idx.msk [tilespmem:v60+s10+$0x0], $0xffff;
	v60 =	vor.u32 v11, v3  }
0x182: {  	v61 =	vor.u32 v12, v3;
	v53 =	vld.idx.msk [tilespmem:v53+s10+$0x0], $0xffff  }
0x183: {  	v62 =	vor.u32 v13, v3;
	v45 =	vld.idx.msk [tilespmem:v45+s10+$0x0], $0xffff;
	[tilespmem:v52+s17+$0x0] =	vst.idx.msk $0xffff, v46  }
0x184: {  	v63 =	vor.u32 v14, v3;
	[tilespmem:v54+s17+$0x0] =	vst.idx.msk $0xffff, v44  }
0x185: {  	v3 =	vor.u32 v15, v3;
	[tilespmem:v55+s17+$0x0] =	vst.idx.msk $0xffff, v41  }
0x186: {  	[tilespmem:v60+s17+$0x0] =	vst.idx.msk $0xffff, v50  }
0x187: {  	v52 =	vadd.s32 v16, v57;
	[tilespmem:v61+s17+$0x0] =	vst.idx.msk $0xffff, v1  }
0x188: {  	v1 =	vadd.s32 v26, v57;
	[tilespmem:v62+s17+$0x0] =	vst.idx.msk $0xffff, v43  }
0x189: {  	v54 =	vadd.s32 v19, v57;
	[tilespmem:v63+s17+$0x0] =	vst.idx.msk $0xffff, v47  }
0x18a: {  	[tilespmem:v3+s17+$0x0] =	vst.idx.msk $0xffff, v48;
	v3 =	vadd.s32 v17, v57  }
0x18b: {  	v55 =	vadd.s32 v25, v57  }
0x18c: {  	v46 =	vadd.s32 v20, v57;
	v60 =	vld.idx.msk [tilespmem:v52+s10+$0x0], $0xffff  }
0x18d: {  	v50 =	vshll.u32 v57, $0x7;
	v63 =	vld.idx.msk [tilespmem:v1+s10+$0x0], $0xffff;
	v1 =	vadd.s32 v18, v57  }
0x18e: {  	v62 =	vor.u32 v0, v50;
	v48 =	vadd.s32 v27, v57;
	v43 =	vld.idx.msk [tilespmem:v54+s10+$0x0], $0xffff  }
0x18f: {  	v44 =	vld.idx.msk [tilespmem:v3+s10+$0x0], $0xffff;
	v3 =	vor.u32 v9, v50  }
0x190: {  	v41 =	vld.idx.msk [tilespmem:v55+s10+$0x0], $0xffff;
	v54 =	vor.u32 v10, v50  }
0x191: {  	v61 =	vor.u32 v11, v50;
	v47 =	vld.idx.msk [tilespmem:v46+s10+$0x0], $0xffff  }
0x192: {  	v46 =	vld.idx.msk [tilespmem:v1+s10+$0x0], $0xffff;
	v1 =	vor.u32 v12, v50  }
0x193: {  	v48 =	vld.idx.msk [tilespmem:v48+s10+$0x0], $0xffff;
	[tilespmem:v62+s17+$0x0] =	vst.idx.msk $0xffff, v42;
	v62 =	vor.u32 v13, v50  }
0x194: {  	[tilespmem:v3+s17+$0x0] =	vst.idx.msk $0xffff, v40;
	v3 =	vor.u32 v14, v50  }
0x195: {  	[tilespmem:v54+s17+$0x0] =	vst.idx.msk $0xffff, v49;
	v49 =	vor.u32 v15, v50  }
0x196: {  	[tilespmem:v61+s17+$0x0] =	vst.idx.msk $0xffff, v2;
	v2 =	vadd.s32 v34, v57  }
0x197: {  	v50 =	vadd.s32 v31, v57;
	[tilespmem:v1+s17+$0x0] =	vst.idx.msk $0xffff, v45  }
0x198: {  	v1 =	vadd.s32 v35, v57;
	[tilespmem:v62+s17+$0x0] =	vst.idx.msk $0xffff, v53  }
0x199: {  	v45 =	vadd.s32 v32, v57;
	[tilespmem:v3+s17+$0x0] =	vst.idx.msk $0xffff, v51  }
0x19a: {  	s23 =	sadd.s32 $0x4, s23;
	v3 =	vadd.s32 v33, v57;
	[tilespmem:v49+s17+$0x0] =	vst.idx.msk $0xffff, v4  }
0x19b: {  	p0 =	slt.u32 s23, $0x39;
	v4 =	vadd.s32 v28, v57;
	v61 =	vld.idx.msk [tilespmem:v2+s10+$0x0], $0xffff  }
.Ltmp6:
0x19c: {  	v42 =	vld.idx.msk [tilespmem:v50+s10+$0x0], $0xffff;
	(pc) =	sbr.rel @p0 .LBB2_9-.Ltmp6, $4  }
0x19d: {  	v2 =	vadd.s32 $0x1, v57;
	v62 =	vld.idx.msk [tilespmem:v1+s10+$0x0], $0xffff  }
0x19e: {  	v58 =	vmov v57;
	v50 =	vshll.u32 v2, $0x7;
	v45 =	vld.idx.msk [tilespmem:v45+s10+$0x0], $0xffff  }
0x19f: {  	v52 =	vadd.s32 v30, v57;
	v54 =	vadd.s32 v29, v57;
	v53 =	vor.u32 v0, v50;
	v40 =	vld.idx.msk [tilespmem:v3+s10+$0x0], $0xffff  }
0x1a0: {  	v51 =	vor.u32 v11, v50;
	v1 =	vor.u32 v9, v50;
	v55 =	vor.u32 v10, v50;
	v49 =	vld.idx.msk [tilespmem:v4+s10+$0x0], $0xffff  }
0x1a1: {  	_ =	sdelay $0x3  }
0x1a2: {  	v2 =	vld.idx.msk [tilespmem:v54+s10+$0x0], $0xffff;
	v4 =	vor.u32 v12, v50  }
0x1a3: {  	v3 =	vld.idx.msk [tilespmem:v52+s10+$0x0], $0xffff;
	[tilespmem:v53+s17+$0x0] =	vst.idx.msk $0xffff, v47;
	v35 =	vor.u32 v13, v50  }
0x1a4: {  	[tilespmem:v1+s17+$0x0] =	vst.idx.msk $0xffff, v48;
	v1 =	vor.u32 v14, v50  }
0x1a5: {  	v50 =	vor.u32 v15, v50;
	[tilespmem:v55+s17+$0x0] =	vst.idx.msk $0xffff, v43  }
0x1a6: {  	v52 =	vadd.s32 v37, v58;
	[tilespmem:v51+s17+$0x0] =	vst.idx.msk $0xffff, v46  }
0x1a7: {  	v53 =	vadd.s32 v36, v58;
	[tilespmem:v4+s17+$0x0] =	vst.idx.msk $0xffff, v44  }
0x1a8: {  	v54 =	vadd.s32 v22, v58;
	[tilespmem:v35+s17+$0x0] =	vst.idx.msk $0xffff, v41  }
0x1a9: {  	v55 =	vadd.s32 v23, v58;
	[tilespmem:v1+s17+$0x0] =	vst.idx.msk $0xffff, v63  }
0x1aa: {  	v4 =	vadd.s32 v38, v58;
	[tilespmem:v50+s17+$0x0] =	vst.idx.msk $0xffff, v60  }
0x1ab: {  	v1 =	vadd.s32 v21, v58;
	v44 =	vld.idx.msk [tilespmem:v52+s10+$0x0], $0xffff  }
0x1ac: {  	v63 =	vadd.s32 v39, v58;
	v41 =	vld.idx.msk [tilespmem:v53+s10+$0x0], $0xffff  }
0x1ad: {  	v20 =	vor.u32 v0, v59;
	v60 =	vadd.s32 v24, v58;
	v43 =	vld.idx.msk [tilespmem:v54+s10+$0x0], $0xffff  }
0x1ae: {  	v21 =	vor.u32 v9, v59;
	v46 =	vld.idx.msk [tilespmem:v55+s10+$0x0], $0xffff  }
0x1af: {  	v22 =	vor.u32 v10, v59;
	v4 =	vld.idx.msk [tilespmem:v4+s10+$0x0], $0xffff  }
0x1b0: {  	v23 =	vor.u32 v11, v59;
	v1 =	vld.idx.msk [tilespmem:v1+s10+$0x0], $0xffff  }
0x1b1: {  	v24 =	vor.u32 v12, v59;
	v48 =	vld.idx.msk [tilespmem:v63+s10+$0x0], $0xffff  }
0x1b2: {  	v25 =	vor.u32 v13, v59;
	v47 =	vld.idx.msk [tilespmem:v60+s10+$0x0], $0xffff;
	[tilespmem:v20+s17+$0x0] =	vst.idx.msk $0xffff, v49  }
0x1b3: {  	v17 =	vld [tilespmem:$0x1FFD0];
	[tilespmem:v21+s17+$0x0] =	vst.idx.msk $0xffff, v2;
	v2 =	vor.u32 v14, v59  }
0x1b4: {  	v18 =	vld [tilespmem:$0x1FFE0];
	v50 =	vadd.s32 $0x4, v57;
	[tilespmem:v22+s17+$0x0] =	vst.idx.msk $0xffff, v3;
	v3 =	vor.u32 v15, v59  }
0x1b5: {  	v19 =	vld [tilespmem:$0x1FFF0];
	v26 =	vadd.s32 v5, v50;
	[tilespmem:v23+s17+$0x0] =	vst.idx.msk $0xffff, v42  }
0x1b6: {  	v37 =	vld [tilespmem:$0x1FFC0];
	v27 =	vadd.s32 v6, v50;
	[tilespmem:v24+s17+$0x0] =	vst.idx.msk $0xffff, v45  }
0x1b7: {  	v28 =	vadd.s32 v7, v50;
	v63 =	vld [tilespmem:$0x1FD80];
	[tilespmem:v25+s17+$0x0] =	vst.idx.msk $0xffff, v40  }
0x1b8: {  	v29 =	vadd.s32 v17, v50;
	v20 =	vld [tilespmem:$0x1FD60];
	[tilespmem:v2+s17+$0x0] =	vst.idx.msk $0xffff, v61  }
0x1b9: {  	v31 =	vadd.s32 v18, v50;
	v59 =	vld [tilespmem:$0x1FE00];
	[tilespmem:v3+s17+$0x0] =	vst.idx.msk $0xffff, v62  }
0x1ba: {  	v30 =	vadd.s32 $0x3, v58;
	v32 =	vadd.s32 v19, v50;
	v42 =	vld.idx.msk [tilespmem:v26+s10+$0x0], $0xffff  }
0x1bb: {  	v51 =	vshll.u32 v30, $0x7;
	v2 =	vadd.s32 v8, v50;
	v45 =	vld.idx.msk [tilespmem:v27+s10+$0x0], $0xffff  }
0x1bc: {  	v33 =	vor.u32 v0, v51;
	v3 =	vadd.s32 v37, v50;
	v40 =	vld.idx.msk [tilespmem:v28+s10+$0x0], $0xffff  }
0x1bd: {  	v34 =	vor.u32 v9, v51;
	v49 =	vld.idx.msk [tilespmem:v29+s10+$0x0], $0xffff  }
0x1be: {  	v35 =	vor.u32 v10, v51;
	v52 =	vld.idx.msk [tilespmem:v31+s10+$0x0], $0xffff  }
0x1bf: {  	v36 =	vor.u32 v11, v51;
	v53 =	vld.idx.msk [tilespmem:v32+s10+$0x0], $0xffff  }
0x1c0: {  	v38 =	vor.u32 v12, v51;
	v2 =	vld.idx.msk [tilespmem:v2+s10+$0x0], $0xffff  }
0x1c1: {  	v60 =	vor.u32 v13, v51;
	v3 =	vld.idx.msk [tilespmem:v3+s10+$0x0], $0xffff;
	[tilespmem:v33+s17+$0x0] =	vst.idx.msk $0xffff, v44  }
0x1c2: {  	v25 =	vld [tilespmem:$0x1FDA0];
	[tilespmem:v34+s17+$0x0] =	vst.idx.msk $0xffff, v4;
	v4 =	vor.u32 v14, v51  }
0x1c3: {  	v27 =	vld [tilespmem:$0x1FDB0];
	[tilespmem:v35+s17+$0x0] =	vst.idx.msk $0xffff, v41  }
0x1c4: {  	v61 =	vor.u32 v15, v51;
	v29 =	vld [tilespmem:$0x1FDC0];
	[tilespmem:v36+s17+$0x0] =	vst.idx.msk $0xffff, v48  }
0x1c5: {  	v62 =	vadd.s32 v20, v56;
	v31 =	vld [tilespmem:$0x1FDD0];
	[tilespmem:v38+s17+$0x0] =	vst.idx.msk $0xffff, v1  }
0x1c6: {  	v24 =	vadd.s32 v63, v56;
	v1 =	vld [tilespmem:$0x1FD70];
	[tilespmem:v60+s17+$0x0] =	vst.idx.msk $0xffff, v43  }
0x1c7: {  	v26 =	vadd.s32 v25, v56;
	[tilespmem:v4+s17+$0x0] =	vst.idx.msk $0xffff, v46;
	v4 =	vld [tilespmem:$0x1FD90]  }
0x1c8: {  	v63 =	vld [tilespmem:$0x1FE20];
	v28 =	vadd.s32 v27, v56  }
0x1c9: {  	v30 =	vadd.s32 v29, v56;
	[tilespmem:v61+s17+$0x0] =	vst.idx.msk $0xffff, v47;
	v61 =	vld [tilespmem:$0x1FE10]  }
0x1ca: {  	v32 =	vadd.s32 v31, v56;
	v44 =	vld.idx.msk [tilespmem:v62+s10+$0x0], $0xffff  }
0x1cb: {  	v50 =	vshll.u32 v50, $0x7;
	v43 =	vld.idx.msk [tilespmem:v24+s10+$0x0], $0xffff;
	v1 =	vadd.s32 v1, v56  }
0x1cc: {  	v33 =	vor.u32 v0, v50;
	v41 =	vld.idx.msk [tilespmem:v26+s10+$0x0], $0xffff;
	v4 =	vadd.s32 v4, v56  }
0x1cd: {  	v34 =	vor.u32 v9, v50;
	v46 =	vld.idx.msk [tilespmem:v28+s10+$0x0], $0xffff  }
0x1ce: {  	v35 =	vor.u32 v10, v50;
	v47 =	vld.idx.msk [tilespmem:v30+s10+$0x0], $0xffff  }
0x1cf: {  	v36 =	vor.u32 v11, v50;
	v48 =	vld.idx.msk [tilespmem:v32+s10+$0x0], $0xffff  }
0x1d0: {  	v38 =	vor.u32 v12, v50;
	v1 =	vld.idx.msk [tilespmem:v1+s10+$0x0], $0xffff  }
0x1d1: {  	v51 =	vor.u32 v13, v50;
	v4 =	vld.idx.msk [tilespmem:v4+s10+$0x0], $0xffff;
	[tilespmem:v33+s17+$0x0] =	vst.idx.msk $0xffff, v42  }
0x1d2: {  	v54 =	vor.u32 v14, v50;
	v25 =	vld [tilespmem:$0x1FE30];
	[tilespmem:v34+s17+$0x0] =	vst.idx.msk $0xffff, v45  }
0x1d3: {  	v55 =	vor.u32 v15, v50;
	v28 =	vld [tilespmem:$0x1FE40];
	[tilespmem:v35+s17+$0x0] =	vst.idx.msk $0xffff, v40  }
0x1d4: {  	v60 =	vadd.s32 v59, v56;
	v30 =	vld [tilespmem:$0x1FE50];
	[tilespmem:v36+s17+$0x0] =	vst.idx.msk $0xffff, v2  }
0x1d5: {  	v62 =	vadd.s32 v61, v56;
	v2 =	vld [tilespmem:$0x1FDE0];
	[tilespmem:v38+s17+$0x0] =	vst.idx.msk $0xffff, v3  }
0x1d6: {  	v24 =	vadd.s32 v63, v56;
	v3 =	vld [tilespmem:$0x1FDF0];
	[tilespmem:v51+s17+$0x0] =	vst.idx.msk $0xffff, v49  }
0x1d7: {  	v26 =	vadd.s32 v25, v56;
	[tilespmem:v54+s17+$0x0] =	vst.idx.msk $0xffff, v52  }
0x1d8: {  	v29 =	vadd.s32 v28, v56;
	[tilespmem:v55+s17+$0x0] =	vst.idx.msk $0xffff, v53  }
0x1d9: {  	v27 =	vadd.s32 $0x5, v56;
	v31 =	vadd.s32 v30, v56;
	v42 =	vld.idx.msk [tilespmem:v60+s10+$0x0], $0xffff  }
0x1da: {  	v50 =	vshll.u32 v27, $0x7;
	v2 =	vadd.s32 v2, v56;
	v45 =	vld.idx.msk [tilespmem:v62+s10+$0x0], $0xffff  }
0x1db: {  	v32 =	vor.u32 v0, v50;
	v40 =	vld.idx.msk [tilespmem:v24+s10+$0x0], $0xffff;
	v3 =	vadd.s32 v3, v56  }
0x1dc: {  	v33 =	vor.u32 v9, v50;
	v49 =	vld.idx.msk [tilespmem:v26+s10+$0x0], $0xffff  }
0x1dd: {  	v34 =	vor.u32 v10, v50;
	v51 =	vld.idx.msk [tilespmem:v29+s10+$0x0], $0xffff  }
0x1de: {  	v35 =	vor.u32 v11, v50;
	v52 =	vld.idx.msk [tilespmem:v31+s10+$0x0], $0xffff  }
0x1df: {  	v36 =	vor.u32 v12, v50;
	v2 =	vld.idx.msk [tilespmem:v2+s10+$0x0], $0xffff  }
0x1e0: {  	v38 =	vor.u32 v13, v50;
	v3 =	vld.idx.msk [tilespmem:v3+s10+$0x0], $0xffff;
	[tilespmem:v32+s17+$0x0] =	vst.idx.msk $0xffff, v44  }
0x1e1: {  	[tilespmem:v33+s17+$0x0] =	vst.idx.msk $0xffff, v1;
	v1 =	vadd.s32 $0x6, v56;
	v56 =	vor.u32 v14, v50  }
0x1e2: {  	v59 =	vor.u32 v15, v50;
	[tilespmem:v34+s17+$0x0] =	vst.idx.msk $0xffff, v43;
	v1 =	vshll.u32 v1, $0x7  }
0x1e3: {  	[tilespmem:v35+s17+$0x0] =	vst.idx.msk $0xffff, v4;
	v4 =	vor.u32 v0, v1  }
0x1e4: {  	v60 =	vor.u32 v9, v1;
	[tilespmem:v36+s17+$0x0] =	vst.idx.msk $0xffff, v41  }
0x1e5: {  	v61 =	vor.u32 v10, v1;
	[tilespmem:v38+s17+$0x0] =	vst.idx.msk $0xffff, v46  }
0x1e6: {  	v62 =	vor.u32 v11, v1;
	[tilespmem:v56+s17+$0x0] =	vst.idx.msk $0xffff, v47  }
0x1e7: {  	v63 =	vor.u32 v12, v1;
	[tilespmem:v59+s17+$0x0] =	vst.idx.msk $0xffff, v48  }
0x1e8: {  	[tilespmem:v4+s17+$0x0] =	vst.idx.msk $0xffff, v2;
	v2 =	vor.u32 v13, v1  }
0x1e9: {  	[tilespmem:v60+s17+$0x0] =	vst.idx.msk $0xffff, v3;
	v3 =	vor.u32 v14, v1  }
0x1ea: {  	v1 =	vor.u32 v15, v1;
	[tilespmem:v61+s17+$0x0] =	vst.idx.msk $0xffff, v42  }
0x1eb: {  	p0 =	seq.s32 s20, $0x33;
	[tilespmem:v62+s17+$0x0] =	vst.idx.msk $0xffff, v45  }
.Ltmp7:
0x1ec: {  	[tilespmem:v63+s17+$0x0] =	vst.idx.msk $0xffff, v40;
	(pc) =	sbr.rel @p0 .LBB2_12-.Ltmp7, $4  }
0x1ed: {  	[tilespmem:v2+s17+$0x0] =	vst.idx.msk $0xffff, v49  }
0x1ee: {  	[tilespmem:v3+s17+$0x0] =	vst.idx.msk $0xffff, v51  }
0x1ef: {  	s22 =	sadd.s32 s22, s8;
	v16 =	vmov v5;
	v50 =	vmov v19;
	[tilespmem:v1+s17+$0x0] =	vst.idx.msk $0xffff, v52  }
0x1f0: {  	v36 =	vmovc v8;
	v4 =	vmovc v7;
	v49 =	vmov v18;
	v3 =	vmov v6;
	v51 =	vmov v17;
	[hbm4b:s22+s13] =	stream.strided.scatter [tilespmem:s17], [sflag:$0x4], $0x2000, s14, s13, $0x38;
	[tilespmem:$0xC000] =	vst v63  }
0x1f1: {  	v20 =	vld [tilespmem:$0x1FE60]  }
0x1f2: {  	v21 =	vld [tilespmem:$0x1FE70]  }
0x1f3: {  	v22 =	vld [tilespmem:$0x1FE80]  }
0x1f4: {  	v23 =	vld [tilespmem:$0x1FE90]  }
0x1f5: {  	v24 =	vld [tilespmem:$0x1FEA0]  }
0x1f6: {  	v25 =	vld [tilespmem:$0x1FEB0]  }
0x1f7: {  	v26 =	vld [tilespmem:$0x1FEC0]  }
0x1f8: {  	v27 =	vld [tilespmem:$0x1FED0]  }
0x1f9: {  	s21 =	sadd.s32 $0x3, s21;
	v28 =	vld [tilespmem:$0x1FEE0]  }
0x1fa: {  	v29 =	vld [tilespmem:$0x1FEF0];
	s22 =	sshll.u32 s21, $0x7;
	s21 =	sshll.u32 s21, $0xC  }
0x1fb: {  	v30 =	vld [tilespmem:$0x1FF00];
	s22 =	sand.u32 $0x180, s22;
	s21 =	sand.u32 $0xFC000, s21  }
.Ltmp8:
0x1fc: {  	v31 =	vld [tilespmem:$0x1FF10];
	s21 =	sor.u32 s22, s21;
	(pc) =	sbr.rel .LBB2_2-.Ltmp8, $4  }
0x1fd: {  	v32 =	vld [tilespmem:$0x1FF20];
	s21 =	sor.u32 s4, s21  }
0x1fe: {  	v33 =	vld [tilespmem:$0x1FF30];
	s21 =	sshll.u32 s21, $0x4  }
0x1ff: {  	s20 =	sadd.s32 $0x1, s20;
	v34 =	vld [tilespmem:$0x1FF40];
	s21 =	sadd.s32 s5, s21  }
0x200: {  	v35 =	vld [tilespmem:$0x1FF50];
	[tilespmem:s10], [sflag:$0x2] =	stream.linear.gather [hbm4b:s21+s3], $0x4000, $0x38  }
.LBB2_13:
0x201: {  	_ =	sfence.sel $0x180000  }
0x202: {  	[bflag:$0x0] =	sbarrier.arrive $0xFFFF  }
0x203: {  	p0 =	sne.s32 s0, $0x0;
	_ =	strace $0x90000047  }
0x204: {  	s0 =	sadd.s32 @!p0 $0x100000, s1;
	[bflag:$0x2] =	sbarrier.arrive $0xFFFF  }
0x205: {  	[sflag:s0] =	ssyncadd.tile.s32 @!p0 $0x1;
	_ =	shalt  }
.Lfunc_end2:
_tile_overlayer_lowered:
.L_overlay_start_2:
0x206: {  	(tag) =	ssettag $0x2  }
0x207: {  	s0 =	rddreg [dreg:$0x0];
	s2 =	stileid.u32  }
0x208: {  	s1 =	rddreg [dreg:$0x1];
	p0 =	sne.s32 s2, $0x0  }
0x209: {  	s3 =	rddreg [dreg:$0x2];
	[bflag:$0x3] =	sbarrier.arrive $0xFFFF;
	s2 =	simm.s32 @!p0 $0x1C05  }
0x20a: {  	[timem:s3], [sflag:s2] =	dma.local @!p0 [hbm:s0], s1  }
0x20b: {  	s0 =	simm.s32 @!p0 $0x5  }
0x20c: {  	_ =	swait.ge @!p0 [sflag:s0], s1  }
0x20d: {  	s1 =	ssub.s32 @!p0 $0x0, s1;
	[sflag:s0] =	ssyncset.done @!p0 $0x0  }
0x20e: {  	[sflag:s0] =	ssyncadd.s32 @!p0 s1  }
0x20f: {  	[bflag:$0x3] =	sbarrier.arrive $0xFFFF  }
0x210: {  	_ =	shalt  }

</sc_bundles>
